<compile_context>
chip_gen: v7x
topology: tpu7x:2x2x1
jax: 0.10.2.dev20260603
libtpu: 0.0.44.dev20260713+nightly
codegen_flags: <defaults>
</compile_context>

<pallas_src>
import functools

import jax
import jax.numpy as jnp
from jax import lax
from jax.experimental import pallas as pl
from jax.experimental.pallas import tpu as pltpu
from jax.experimental.pallas import tpu_sc as plsc

DIM = 128
N = 200
L = 50
N_LAYER = 2
BB = 16


def _sc_gather(emb, idx_flat):
    info = plsc.get_sparse_core_info()
    nw = info.num_cores * info.num_subcores
    total = idx_flat.shape[0]
    per_w = total // nw
    chunk = 128
    n_chunks = per_w // chunk

    mesh = plsc.VectorSubcoreMesh(core_axis_name="c", subcore_axis_name="s")

    @functools.partial(
        pl.kernel,
        mesh=mesh,
        out_type=jax.ShapeDtypeStruct((total, DIM), jnp.float32),
        scratch_types=[
            pltpu.VMEM((2, chunk), jnp.int32),
            pltpu.VMEM((2, chunk, DIM), jnp.float32),
            pltpu.SemaphoreType.DMA,
        ],
    )
    def k(idx_hbm, table_hbm, out_hbm, idx_v, rows_v, gsem):
        wid = lax.axis_index("s") * info.num_cores + lax.axis_index("c")
        w_base = wid * per_w

        def start(i, slot):
            base = w_base + i * chunk
            pltpu.sync_copy(idx_hbm.at[pl.ds(base, chunk)], idx_v.at[slot])
            pltpu.async_copy(table_hbm.at[idx_v.at[slot]], rows_v.at[slot], gsem)

        def finish(i, slot):
            base = w_base + i * chunk
            pltpu.make_async_copy(
                table_hbm.at[idx_v.at[slot]], rows_v.at[slot], gsem
            ).wait()
            pltpu.sync_copy(rows_v.at[slot], out_hbm.at[pl.ds(base, chunk)])

        start(0, 0)

        def body(g, c):
            i = g * 2
            @pl.when(i + 1 < n_chunks)
            def _():
                start(i + 1, 1)

            finish(i, 0)

            @pl.when(i + 2 < n_chunks)
            def _():
                start(i + 2, 0)

            @pl.when(i + 1 < n_chunks)
            def _():
                finish(i + 1, 1)

            return c

        lax.fori_loop(0, (n_chunks + 1) // 2, body, 0)

    return k(idx_flat, emb)


def _tc_body(hg_ref, adj_ref, mask_ref, posm_ref, pe_ref, te_ref, w_ref,
             gw_ref, gb_ref, out_ref):
    mask = mask_ref[...]
    clamp = jnp.minimum(mask, 1).astype(jnp.float32)
    onehot = (mask == lax.broadcasted_iota(jnp.int32, (1, 4), 1)).astype(
        jnp.float32
    )
    type_e = jnp.dot(onehot, te_ref[...], preferred_element_type=jnp.float32)

    pos = posm_ref[...].reshape(BB * N, L)
    pos_num = jnp.sum(pos, axis=1, keepdims=True)
    pos_e = jnp.dot(pos, pe_ref[...], preferred_element_type=jnp.float32)
    pos_e = pos_e / (pos_num + 1e-9) * clamp

    hg = hg_ref[...].reshape(BB * N, DIM)
    h = jnp.dot(
        jnp.concatenate([hg, type_e, pos_e], axis=1),
        w_ref[...],
        preferred_element_type=jnp.float32,
    )

    gw = gw_ref[...]
    gb = gb_ref[...]
    for _ in range(N_LAYER):
        pieces = []
        for b in range(BB):
            hb = h[b * N:(b + 1) * N]
            t = jnp.dot(adj_ref[b], hb, preferred_element_type=jnp.float32)
            t = jnp.dot(t, gw, preferred_element_type=jnp.float32)
            pieces.append(t)
        h = jnp.maximum(jnp.concatenate(pieces, axis=0) + gb, 0.0) * clamp
    out_ref[...] = h.reshape(BB, N, DIM)


def _tc_pipeline(hg, adj, mask, posm, pe, te, w, gw, gb):
    b_total = adj.shape[0]
    grid = (b_total // BB,)
    return pl.pallas_call(
        _tc_body,
        grid=grid,
        in_specs=[
            pl.BlockSpec((BB, N, DIM), lambda i: (i, 0, 0)),
            pl.BlockSpec((BB, N, N), lambda i: (i, 0, 0)),
            pl.BlockSpec((BB * N, 1), lambda i: (i, 0)),
            pl.BlockSpec((BB, N, L), lambda i: (i, 0, 0)),
            pl.BlockSpec((L, DIM), lambda i: (0, 0)),
            pl.BlockSpec((4, DIM), lambda i: (0, 0)),
            pl.BlockSpec((3 * DIM, DIM), lambda i: (0, 0)),
            pl.BlockSpec((DIM, DIM), lambda i: (0, 0)),
            pl.BlockSpec((1, DIM), lambda i: (0, 0)),
        ],
        out_specs=pl.BlockSpec((BB, N, DIM), lambda i: (i, 0, 0)),
        out_shape=jax.ShapeDtypeStruct((b_total, N, DIM), jnp.float32),
    )(hg, adj, mask, posm, pe, te, w, gw, gb)


def kernel(adj, nodes, node_type_mask, node_pos_matrix, emb, pos_emb,
           type_emb, w_pos_type, gcn_w, gcn_b):
    b_total, n = nodes.shape
    idx_flat = nodes.reshape(-1).astype(jnp.int32)
    hg = _sc_gather(emb, idx_flat).reshape(b_total, n, DIM)
    return _tc_pipeline(
        hg,
        adj,
        node_type_mask.reshape(b_total * n, 1),
        node_pos_matrix,
        pos_emb[:L],
        type_emb,
        w_pos_type,
        gcn_w,
        gcn_b.reshape(1, DIM),
    )

# --- scband reference (transcript-rebuilt; emitter-appended) ---
"""Pipeline reference for scband-vlgraph-32985348833521 (READ-ONLY COPY).

The authoritative reference and input builder live on the scoring server;
editing this copy changes nothing except your own understanding.
"""

import jax, jax.numpy as jnp
import numpy as np

NUM_ITEM = 100000
NUM_CLUSTER = 1000
NUM_NODE = NUM_ITEM + 2 * NUM_CLUSTER  # 102000
DIM = 128
B = 1024
N = 200
L = 50
N_LAYER = 2


def setup_inputs(seed: int = 0) -> dict:
    key = jax.random.key(seed)
    ks = jax.random.split(key, 10)
    stdv = 1.0 / np.sqrt(DIM)
    adj = jax.random.uniform(ks[0], (B, N, N), dtype=jnp.float32)
    nodes = jax.random.randint(ks[1], (B, N), 0, NUM_NODE + 1, dtype=jnp.int64) if jax.config.jax_enable_x64 else jax.random.randint(ks[1], (B, N), 0, NUM_NODE + 1, dtype=jnp.int32)
    node_type_mask = jax.random.randint(ks[2], (B, N), 0, 4, dtype=jnp.int32)
    node_pos_matrix = jax.random.uniform(ks[3], (B, N, L), dtype=jnp.float32)
    emb = jax.random.uniform(ks[4], (NUM_NODE + 1, DIM), minval=-stdv, maxval=stdv, dtype=jnp.float32)
    emb = emb.at[0].set(0.0)  # padding_idx=0
    pos_emb = jax.random.uniform(ks[5], (200, DIM), minval=-stdv, maxval=stdv, dtype=jnp.float32)
    type_emb = jax.random.uniform(ks[6], (4, DIM), minval=-stdv, maxval=stdv, dtype=jnp.float32)
    w_pos_type = jax.random.uniform(ks[7], (3 * DIM, DIM), minval=-stdv, maxval=stdv, dtype=jnp.float32)
    gcn_w = jax.random.uniform(ks[8], (DIM, DIM), minval=-stdv, maxval=stdv, dtype=jnp.float32)
    gcn_b = jax.random.uniform(ks[9], (DIM,), minval=-stdv, maxval=stdv, dtype=jnp.float32)
    return {"adj": adj, "nodes": nodes, "node_type_mask": node_type_mask,
            "node_pos_matrix": node_pos_matrix, "emb": emb, "pos_emb": pos_emb,
            "type_emb": type_emb, "w_pos_type": w_pos_type, "gcn_w": gcn_w, "gcn_b": gcn_b}


def reference(adj, nodes, node_type_mask, node_pos_matrix, emb, pos_emb, type_emb, w_pos_type, gcn_w, gcn_b):
    # h_nodes = self.embedding(nodes)  -> SparseCore gather over 102k-row table
    h = jnp.take(emb, nodes, axis=0)
    # auxiliary 'node_type' embedding
    type_e = jnp.take(type_emb, node_type_mask, axis=0)
    # auxiliary 'pos' embedding: soft position aggregation
    Lm = node_pos_matrix.shape[-1]
    pe = pos_emb[:Lm]
    pos_e = jnp.matmul(node_pos_matrix, pe)
    pos_num = jnp.sum(node_pos_matrix, axis=-1, keepdims=True)
    pos_e = pos_e / (pos_num + 1e-9)
    clamp_mask = jnp.minimum(node_type_mask, 1).astype(h.dtype)[..., None]
    pos_e = pos_e * clamp_mask
    h = jnp.concatenate([h, type_e, pos_e], axis=-1)
    h = jnp.matmul(h, w_pos_type)
    # n_layer local GCN aggregations over dense per-session adjacency
    for _ in range(N_LAYER):
        h = jax.nn.relu(jnp.matmul(jnp.matmul(adj, h), gcn_w) + gcn_b)
        # F.dropout with training=False is identity (eval mode)
        h = h * clamp_mask
    return h

if __name__ == "__main__":
    import jax
    _d = setup_inputs()
    print(jax.jit(kernel)(*tuple(_d.values())))

</pallas_src>

<mosaic_0001>
#map = affine_map<(d0, d1) -> (0)>
#map1 = affine_map<(d0, d1) -> (0, 0)>
module attributes {stable_mosaic.version = 14 : i64} {
  func.func @k(%arg0: i32, %arg1: i32, %arg2: memref<204800xi32, #tpu.memory_space<hbm>>, %arg3: memref<102001x128xf32, #tpu.memory_space<hbm>>, %arg4: memref<204800x128xf32, #tpu.memory_space<hbm>>, %arg5: memref<2x128xi32, #tpu.memory_space<vmem>>, %arg6: memref<2x128x128xf32, #tpu.memory_space<vmem>>, %arg7: memref<!tpu.dma_semaphore, #tpu.memory_space<semaphore_mem>>) attributes {dimension_semantics = [#tpu.dimension_semantics<core_parallel>, #tpu.dimension_semantics<subcore_parallel>], iteration_bounds = array<i64: 2, 16>, scalar_prefetch = 0 : i64, scratch_operands = 3 : i64, tpu.core_type = #tpu.core_type<sc_vector_subcore>, window_params = [{transform_indices = #map}, {transform_indices = #map1}, {transform_indices = #map1}]} {
    %mul3A = arith.constant 2 : i32
    %mul3A_0 = arith.muli %arg1, %mul3A : i32
    %add3A = arith.addi %mul3A_0, %arg0 : i32
    %mul3A_1 = arith.constant 6400 : i32
    %mul3A_2 = arith.muli %add3A, %mul3A_1 : i32
    %add3A_3 = arith.constant 0 : i32
    %add3A_4 = arith.addi %mul3A_2, %add3A_3 : i32
    %run_scoped3A = arith.constant 0 : i32
    "tpu.region"() ({
      %run_scoped3A_21 = tpu.sem_alloc : memref<!tpu.dma_semaphore, #tpu.memory_space<semaphore_mem>>
      %dma_start3A_22 = arith.constant 0 : i32
      %dma_start3A_23 = tpu.memref_slice %arg5[%run_scoped3A, %dma_start3A_22] : memref<2x128xi32, #tpu.memory_space<vmem>> -> memref<1x128xi32, #tpu.memory_space<vmem>>
      %dma_start3A_24 = tpu.memref_squeeze %dma_start3A_23 : memref<1x128xi32, #tpu.memory_space<vmem>> -> memref<128xi32, #tpu.memory_space<vmem>>
      %dma_start3A_25 = tpu.memref_slice %arg2[%add3A_4] : memref<204800xi32, #tpu.memory_space<hbm>> -> memref<128xi32, #tpu.memory_space<hbm>>
      %dma_start3A_26 = arith.constant 0 : i32
      %dma_start3A_27 = tpu.memref_slice %arg5[%run_scoped3A, %dma_start3A_26] : memref<2x128xi32, #tpu.memory_space<vmem>> -> memref<1x128xi32, #tpu.memory_space<vmem>>
      %dma_start3A_28 = tpu.memref_squeeze %dma_start3A_27 : memref<1x128xi32, #tpu.memory_space<vmem>> -> memref<128xi32, #tpu.memory_space<vmem>>
      %dma_start3A_29 = tpu.memref_slice %arg2[%add3A_4] : memref<204800xi32, #tpu.memory_space<hbm>> -> memref<128xi32, #tpu.memory_space<hbm>>
      tpu.enqueue_dma source(%dma_start3A_29 : memref<128xi32, #tpu.memory_space<hbm>>) target(%dma_start3A_28 : memref<128xi32, #tpu.memory_space<vmem>>) target_semaphore(%run_scoped3A_21 : memref<!tpu.dma_semaphore, #tpu.memory_space<semaphore_mem>>)
      %dma_wait3A = arith.constant 0 : i32
      %dma_wait3A_30 = tpu.memref_slice %arg5[%run_scoped3A, %dma_wait3A] : memref<2x128xi32, #tpu.memory_space<vmem>> -> memref<1x128xi32, #tpu.memory_space<vmem>>
      %dma_wait3A_31 = tpu.memref_squeeze %dma_wait3A_30 : memref<1x128xi32, #tpu.memory_space<vmem>> -> memref<128xi32, #tpu.memory_space<vmem>>
      %dma_wait3A_32 = tpu.memref_slice %arg2[%add3A_4] : memref<204800xi32, #tpu.memory_space<hbm>> -> memref<128xi32, #tpu.memory_space<hbm>>
      %dma_wait3A_33 = arith.constant 0 : i32
      %dma_wait3A_34 = tpu.memref_slice %arg5[%run_scoped3A, %dma_wait3A_33] : memref<2x128xi32, #tpu.memory_space<vmem>> -> memref<1x128xi32, #tpu.memory_space<vmem>>
      %dma_wait3A_35 = tpu.memref_squeeze %dma_wait3A_34 : memref<1x128xi32, #tpu.memory_space<vmem>> -> memref<128xi32, #tpu.memory_space<vmem>>
      %dma_wait3A_36 = tpu.memref_slice %arg2[%add3A_4] : memref<204800xi32, #tpu.memory_space<hbm>> -> memref<128xi32, #tpu.memory_space<hbm>>
      tpu.wait_dma2 semaphore(%run_scoped3A_21 : memref<!tpu.dma_semaphore, #tpu.memory_space<semaphore_mem>>) src(%dma_wait3A_36 : memref<128xi32, #tpu.memory_space<hbm>>) dst(%dma_wait3A_35 : memref<128xi32, #tpu.memory_space<vmem>>)
      tpu.yield
    }) : () -> ()
    %dma_start3A = arith.constant 0 : i32
    %dma_start3A_5 = arith.constant 0 : i32
    %dma_start3A_6 = arith.constant 0 : i32
    %dma_start3A_7 = arith.constant 0 : i32
    %dma_start3A_8 = tpu.memref_slice %arg6[%dma_start3A_5, %dma_start3A_6, %dma_start3A_7] : memref<2x128x128xf32, #tpu.memory_space<vmem>> -> memref<1x128x128xf32, #tpu.memory_space<vmem>>
    %dma_start3A_9 = tpu.memref_squeeze %dma_start3A_8 : memref<1x128x128xf32, #tpu.memory_space<vmem>> -> memref<128x128xf32, #tpu.memory_space<vmem>>
    %dma_start3A_10 = arith.constant 0 : i32
    %dma_start3A_11 = tpu.memref_slice %arg5[%dma_start3A, %dma_start3A_10] : memref<2x128xi32, #tpu.memory_space<vmem>> -> memref<1x128xi32, #tpu.memory_space<vmem>>
    %dma_start3A_12 = tpu.memref_squeeze %dma_start3A_11 : memref<1x128xi32, #tpu.memory_space<vmem>> -> memref<128xi32, #tpu.memory_space<vmem>>
    %dma_start3A_13 = arith.constant 0 : i32
    %dma_start3A_14 = arith.constant 0 : i32
    %dma_start3A_15 = tpu.memref_slice %arg3[%dma_start3A_13, %dma_start3A_14] : memref<102001x128xf32, #tpu.memory_space<hbm>> -> memref<102001x128xf32, #tpu.memory_space<hbm>>
    tpu.enqueue_indirect_dma source(%dma_start3A_15 : memref<102001x128xf32, #tpu.memory_space<hbm>>) target(%dma_start3A_9 : memref<128x128xf32, #tpu.memory_space<vmem>>) offsets(%dma_start3A_12 : memref<128xi32, #tpu.memory_space<vmem>>) semaphore(%arg7 : memref<!tpu.dma_semaphore, #tpu.memory_space<semaphore_mem>>)
    %scan3A = arith.constant 0 : i32
    %scan3A_16 = arith.constant 0 : i32
    %scan3A_17 = arith.constant 25 : i32
    %scan3A_18 = arith.addi %scan3A_16, %scan3A_17 : i32
    %scan3A_19 = arith.constant 1 : i32
    scf.for %scan3A_21 = %scan3A_16 to %scan3A_18 step %scan3A_19  : i32 {
      %mul3A_22 = arith.constant 2 : i32
      %mul3A_23 = arith.muli %scan3A_21, %mul3A_22 : i32
      %add3A_24 = arith.constant 1 : i32
      %add3A_25 = arith.addi %mul3A_23, %add3A_24 : i32
      %lt3A = arith.constant 50 : i32
      %lt3A_26 = arith.cmpi slt, %add3A_25, %lt3A : i32
      %convert_element_type3A = arith.extui %lt3A_26 : i1 to i32
      %cond3A = arith.constant 0 : i32
      %cond3A_27 = arith.cmpi ne, %convert_element_type3A, %cond3A : i32
      scf.if %cond3A_27 {
        %add3A_57 = arith.constant 1 : i32
        %add3A_58 = arith.addi %mul3A_23, %add3A_57 : i32
        %mul3A_59 = arith.constant 128 : i32
        %mul3A_60 = arith.muli %add3A_58, %mul3A_59 : i32
        %add3A_61 = arith.addi %mul3A_2, %mul3A_60 : i32
        %run_scoped3A_62 = arith.constant 1 : i32
        "tpu.region"() ({
          %run_scoped3A_75 = tpu.sem_alloc : memref<!tpu.dma_semaphore, #tpu.memory_space<semaphore_mem>>
          %dma_start3A_76 = arith.constant 0 : i32
          %dma_start3A_77 = tpu.memref_slice %arg5[%run_scoped3A_62, %dma_start3A_76] : memref<2x128xi32, #tpu.memory_space<vmem>> -> memref<1x128xi32, #tpu.memory_space<vmem>>
          %dma_start3A_78 = tpu.memref_squeeze %dma_start3A_77 : memref<1x128xi32, #tpu.memory_space<vmem>> -> memref<128xi32, #tpu.memory_space<vmem>>
          %dma_start3A_79 = tpu.memref_slice %arg2[%add3A_61] : memref<204800xi32, #tpu.memory_space<hbm>> -> memref<128xi32, #tpu.memory_space<hbm>>
          %dma_start3A_80 = arith.constant 0 : i32
          %dma_start3A_81 = tpu.memref_slice %arg5[%run_scoped3A_62, %dma_start3A_80] : memref<2x128xi32, #tpu.memory_space<vmem>> -> memref<1x128xi32, #tpu.memory_space<vmem>>
          %dma_start3A_82 = tpu.memref_squeeze %dma_start3A_81 : memref<1x128xi32, #tpu.memory_space<vmem>> -> memref<128xi32, #tpu.memory_space<vmem>>
          %dma_start3A_83 = tpu.memref_slice %arg2[%add3A_61] : memref<204800xi32, #tpu.memory_space<hbm>> -> memref<128xi32, #tpu.memory_space<hbm>>
          tpu.enqueue_dma source(%dma_start3A_83 : memref<128xi32, #tpu.memory_space<hbm>>) target(%dma_start3A_82 : memref<128xi32, #tpu.memory_space<vmem>>) target_semaphore(%run_scoped3A_75 : memref<!tpu.dma_semaphore, #tpu.memory_space<semaphore_mem>>)
          %dma_wait3A_84 = arith.constant 0 : i32
          %dma_wait3A_85 = tpu.memref_slice %arg5[%run_scoped3A_62, %dma_wait3A_84] : memref<2x128xi32, #tpu.memory_space<vmem>> -> memref<1x128xi32, #tpu.memory_space<vmem>>
          %dma_wait3A_86 = tpu.memref_squeeze %dma_wait3A_85 : memref<1x128xi32, #tpu.memory_space<vmem>> -> memref<128xi32, #tpu.memory_space<vmem>>
          %dma_wait3A_87 = tpu.memref_slice %arg2[%add3A_61] : memref<204800xi32, #tpu.memory_space<hbm>> -> memref<128xi32, #tpu.memory_space<hbm>>
          %dma_wait3A_88 = arith.constant 0 : i32
          %dma_wait3A_89 = tpu.memref_slice %arg5[%run_scoped3A_62, %dma_wait3A_88] : memref<2x128xi32, #tpu.memory_space<vmem>> -> memref<1x128xi32, #tpu.memory_space<vmem>>
          %dma_wait3A_90 = tpu.memref_squeeze %dma_wait3A_89 : memref<1x128xi32, #tpu.memory_space<vmem>> -> memref<128xi32, #tpu.memory_space<vmem>>
          %dma_wait3A_91 = tpu.memref_slice %arg2[%add3A_61] : memref<204800xi32, #tpu.memory_space<hbm>> -> memref<128xi32, #tpu.memory_space<hbm>>
          tpu.wait_dma2 semaphore(%run_scoped3A_75 : memref<!tpu.dma_semaphore, #tpu.memory_space<semaphore_mem>>) src(%dma_wait3A_91 : memref<128xi32, #tpu.memory_space<hbm>>) dst(%dma_wait3A_90 : memref<128xi32, #tpu.memory_space<vmem>>)
          tpu.yield
        }) : () -> ()
        %dma_start3A_63 = arith.constant 1 : i32
        %dma_start3A_64 = arith.constant 1 : i32
        %dma_start3A_65 = arith.constant 0 : i32
        %dma_start3A_66 = arith.constant 0 : i32
        %dma_start3A_67 = tpu.memref_slice %arg6[%dma_start3A_64, %dma_start3A_65, %dma_start3A_66] : memref<2x128x128xf32, #tpu.memory_space<vmem>> -> memref<1x128x128xf32, #tpu.memory_space<vmem>>
        %dma_start3A_68 = tpu.memref_squeeze %dma_start3A_67 : memref<1x128x128xf32, #tpu.memory_space<vmem>> -> memref<128x128xf32, #tpu.memory_space<vmem>>
        %dma_start3A_69 = arith.constant 0 : i32
        %dma_start3A_70 = tpu.memref_slice %arg5[%dma_start3A_63, %dma_start3A_69] : memref<2x128xi32, #tpu.memory_space<vmem>> -> memref<1x128xi32, #tpu.memory_space<vmem>>
        %dma_start3A_71 = tpu.memref_squeeze %dma_start3A_70 : memref<1x128xi32, #tpu.memory_space<vmem>> -> memref<128xi32, #tpu.memory_space<vmem>>
        %dma_start3A_72 = arith.constant 0 : i32
        %dma_start3A_73 = arith.constant 0 : i32
        %dma_start3A_74 = tpu.memref_slice %arg3[%dma_start3A_72, %dma_start3A_73] : memref<102001x128xf32, #tpu.memory_space<hbm>> -> memref<102001x128xf32, #tpu.memory_space<hbm>>
        tpu.enqueue_indirect_dma source(%dma_start3A_74 : memref<102001x128xf32, #tpu.memory_space<hbm>>) target(%dma_start3A_68 : memref<128x128xf32, #tpu.memory_space<vmem>>) offsets(%dma_start3A_71 : memref<128xi32, #tpu.memory_space<vmem>>) semaphore(%arg7 : memref<!tpu.dma_semaphore, #tpu.memory_space<semaphore_mem>>)
      } else {
      }
      %mul3A_28 = arith.constant 128 : i32
      %mul3A_29 = arith.muli %mul3A_23, %mul3A_28 : i32
      %add3A_30 = arith.addi %mul3A_2, %mul3A_29 : i32
      %dma_wait3A = arith.constant 0 : i32
      %dma_wait3A_31 = arith.constant 0 : i32
      %dma_wait3A_32 = arith.constant 0 : i32
      %dma_wait3A_33 = arith.constant 0 : i32
      %dma_wait3A_34 = tpu.memref_slice %arg6[%dma_wait3A_31, %dma_wait3A_32, %dma_wait3A_33] : memref<2x128x128xf32, #tpu.memory_space<vmem>> -> memref<1x128x128xf32, #tpu.memory_space<vmem>>
      %dma_wait3A_35 = tpu.memref_squeeze %dma_wait3A_34 : memref<1x128x128xf32, #tpu.memory_space<vmem>> -> memref<128x128xf32, #tpu.memory_space<vmem>>
      %dma_wait3A_36 = arith.constant 0 : i32
      %dma_wait3A_37 = tpu.memref_slice %arg5[%dma_wait3A, %dma_wait3A_36] : memref<2x128xi32, #tpu.memory_space<vmem>> -> memref<1x128xi32, #tpu.memory_space<vmem>>
      %dma_wait3A_38 = tpu.memref_squeeze %dma_wait3A_37 : memref<1x128xi32, #tpu.memory_space<vmem>> -> memref<128xi32, #tpu.memory_space<vmem>>
      %dma_wait3A_39 = arith.constant 0 : i32
      %dma_wait3A_40 = arith.constant 0 : i32
      %dma_wait3A_41 = tpu.memref_slice %arg3[%dma_wait3A_39, %dma_wait3A_40] : memref<102001x128xf32, #tpu.memory_space<hbm>> -> memref<102001x128xf32, #tpu.memory_space<hbm>>
      tpu.wait_indirect_dma semaphore(%arg7 : memref<!tpu.dma_semaphore, #tpu.memory_space<semaphore_mem>>) src(%dma_wait3A_41 : memref<102001x128xf32, #tpu.memory_space<hbm>>) dst(%dma_wait3A_35 : memref<128x128xf32, #tpu.memory_space<vmem>>)
      %run_scoped3A_42 = arith.constant 0 : i32
      "tpu.region"() ({
        %run_scoped3A_57 = tpu.sem_alloc : memref<!tpu.dma_semaphore, #tpu.memory_space<semaphore_mem>>
        %dma_start3A_58 = arith.constant 0 : i32
        %dma_start3A_59 = arith.constant 0 : i32
        %dma_start3A_60 = tpu.memref_slice %arg6[%run_scoped3A_42, %dma_start3A_58, %dma_start3A_59] : memref<2x128x128xf32, #tpu.memory_space<vmem>> -> memref<1x128x128xf32, #tpu.memory_space<vmem>>
        %dma_start3A_61 = tpu.memref_squeeze %dma_start3A_60 : memref<1x128x128xf32, #tpu.memory_space<vmem>> -> memref<128x128xf32, #tpu.memory_space<vmem>>
        %dma_start3A_62 = arith.constant 0 : i32
        %dma_start3A_63 = tpu.memref_slice %arg4[%add3A_30, %dma_start3A_62] : memref<204800x128xf32, #tpu.memory_space<hbm>> -> memref<128x128xf32, #tpu.memory_space<hbm>>
        %dma_start3A_64 = arith.constant 0 : i32
        %dma_start3A_65 = tpu.memref_slice %arg4[%add3A_30, %dma_start3A_64] : memref<204800x128xf32, #tpu.memory_space<hbm>> -> memref<128x128xf32, #tpu.memory_space<hbm>>
        %dma_start3A_66 = arith.constant 0 : i32
        %dma_start3A_67 = arith.constant 0 : i32
        %dma_start3A_68 = tpu.memref_slice %arg6[%run_scoped3A_42, %dma_start3A_66, %dma_start3A_67] : memref<2x128x128xf32, #tpu.memory_space<vmem>> -> memref<1x128x128xf32, #tpu.memory_space<vmem>>
        %dma_start3A_69 = tpu.memref_squeeze %dma_start3A_68 : memref<1x128x128xf32, #tpu.memory_space<vmem>> -> memref<128x128xf32, #tpu.memory_space<vmem>>
        tpu.enqueue_dma source(%dma_start3A_69 : memref<128x128xf32, #tpu.memory_space<vmem>>) target(%dma_start3A_65 : memref<128x128xf32, #tpu.memory_space<hbm>>) target_semaphore(%run_scoped3A_57 : memref<!tpu.dma_semaphore, #tpu.memory_space<semaphore_mem>>)
        %dma_wait3A_70 = arith.constant 0 : i32
        %dma_wait3A_71 = arith.constant 0 : i32
        %dma_wait3A_72 = tpu.memref_slice %arg6[%run_scoped3A_42, %dma_wait3A_70, %dma_wait3A_71] : memref<2x128x128xf32, #tpu.memory_space<vmem>> -> memref<1x128x128xf32, #tpu.memory_space<vmem>>
        %dma_wait3A_73 = tpu.memref_squeeze %dma_wait3A_72 : memref<1x128x128xf32, #tpu.memory_space<vmem>> -> memref<128x128xf32, #tpu.memory_space<vmem>>
        %dma_wait3A_74 = arith.constant 0 : i32
        %dma_wait3A_75 = tpu.memref_slice %arg4[%add3A_30, %dma_wait3A_74] : memref<204800x128xf32, #tpu.memory_space<hbm>> -> memref<128x128xf32, #tpu.memory_space<hbm>>
        %dma_wait3A_76 = arith.constant 0 : i32
        %dma_wait3A_77 = tpu.memref_slice %arg4[%add3A_30, %dma_wait3A_76] : memref<204800x128xf32, #tpu.memory_space<hbm>> -> memref<128x128xf32, #tpu.memory_space<hbm>>
        %dma_wait3A_78 = arith.constant 0 : i32
        %dma_wait3A_79 = arith.constant 0 : i32
        %dma_wait3A_80 = tpu.memref_slice %arg6[%run_scoped3A_42, %dma_wait3A_78, %dma_wait3A_79] : memref<2x128x128xf32, #tpu.memory_space<vmem>> -> memref<1x128x128xf32, #tpu.memory_space<vmem>>
        %dma_wait3A_81 = tpu.memref_squeeze %dma_wait3A_80 : memref<1x128x128xf32, #tpu.memory_space<vmem>> -> memref<128x128xf32, #tpu.memory_space<vmem>>
        tpu.wait_dma2 semaphore(%run_scoped3A_57 : memref<!tpu.dma_semaphore, #tpu.memory_space<semaphore_mem>>) src(%dma_wait3A_81 : memref<128x128xf32, #tpu.memory_space<vmem>>) dst(%dma_wait3A_77 : memref<128x128xf32, #tpu.memory_space<hbm>>)
        tpu.yield
      }) : () -> ()
      %add3A_43 = arith.constant 2 : i32
      %add3A_44 = arith.addi %mul3A_23, %add3A_43 : i32
      %lt3A_45 = arith.constant 50 : i32
      %lt3A_46 = arith.cmpi slt, %add3A_44, %lt3A_45 : i32
      %convert_element_type3A_47 = arith.extui %lt3A_46 : i1 to i32
      %cond3A_48 = arith.constant 0 : i32
      %cond3A_49 = arith.cmpi ne, %convert_element_type3A_47, %cond3A_48 : i32
      scf.if %cond3A_49 {
        %add3A_57 = arith.constant 2 : i32
        %add3A_58 = arith.addi %mul3A_23, %add3A_57 : i32
        %mul3A_59 = arith.constant 128 : i32
        %mul3A_60 = arith.muli %add3A_58, %mul3A_59 : i32
        %add3A_61 = arith.addi %mul3A_2, %mul3A_60 : i32
        %run_scoped3A_62 = arith.constant 0 : i32
        "tpu.region"() ({
          %run_scoped3A_75 = tpu.sem_alloc : memref<!tpu.dma_semaphore, #tpu.memory_space<semaphore_mem>>
          %dma_start3A_76 = arith.constant 0 : i32
          %dma_start3A_77 = tpu.memref_slice %arg5[%run_scoped3A_62, %dma_start3A_76] : memref<2x128xi32, #tpu.memory_space<vmem>> -> memref<1x128xi32, #tpu.memory_space<vmem>>
          %dma_start3A_78 = tpu.memref_squeeze %dma_start3A_77 : memref<1x128xi32, #tpu.memory_space<vmem>> -> memref<128xi32, #tpu.memory_space<vmem>>
          %dma_start3A_79 = tpu.memref_slice %arg2[%add3A_61] : memref<204800xi32, #tpu.memory_space<hbm>> -> memref<128xi32, #tpu.memory_space<hbm>>
          %dma_start3A_80 = arith.constant 0 : i32
          %dma_start3A_81 = tpu.memref_slice %arg5[%run_scoped3A_62, %dma_start3A_80] : memref<2x128xi32, #tpu.memory_space<vmem>> -> memref<1x128xi32, #tpu.memory_space<vmem>>
          %dma_start3A_82 = tpu.memref_squeeze %dma_start3A_81 : memref<1x128xi32, #tpu.memory_space<vmem>> -> memref<128xi32, #tpu.memory_space<vmem>>
          %dma_start3A_83 = tpu.memref_slice %arg2[%add3A_61] : memref<204800xi32, #tpu.memory_space<hbm>> -> memref<128xi32, #tpu.memory_space<hbm>>
          tpu.enqueue_dma source(%dma_start3A_83 : memref<128xi32, #tpu.memory_space<hbm>>) target(%dma_start3A_82 : memref<128xi32, #tpu.memory_space<vmem>>) target_semaphore(%run_scoped3A_75 : memref<!tpu.dma_semaphore, #tpu.memory_space<semaphore_mem>>)
          %dma_wait3A_84 = arith.constant 0 : i32
          %dma_wait3A_85 = tpu.memref_slice %arg5[%run_scoped3A_62, %dma_wait3A_84] : memref<2x128xi32, #tpu.memory_space<vmem>> -> memref<1x128xi32, #tpu.memory_space<vmem>>
          %dma_wait3A_86 = tpu.memref_squeeze %dma_wait3A_85 : memref<1x128xi32, #tpu.memory_space<vmem>> -> memref<128xi32, #tpu.memory_space<vmem>>
          %dma_wait3A_87 = tpu.memref_slice %arg2[%add3A_61] : memref<204800xi32, #tpu.memory_space<hbm>> -> memref<128xi32, #tpu.memory_space<hbm>>
          %dma_wait3A_88 = arith.constant 0 : i32
          %dma_wait3A_89 = tpu.memref_slice %arg5[%run_scoped3A_62, %dma_wait3A_88] : memref<2x128xi32, #tpu.memory_space<vmem>> -> memref<1x128xi32, #tpu.memory_space<vmem>>
          %dma_wait3A_90 = tpu.memref_squeeze %dma_wait3A_89 : memref<1x128xi32, #tpu.memory_space<vmem>> -> memref<128xi32, #tpu.memory_space<vmem>>
          %dma_wait3A_91 = tpu.memref_slice %arg2[%add3A_61] : memref<204800xi32, #tpu.memory_space<hbm>> -> memref<128xi32, #tpu.memory_space<hbm>>
          tpu.wait_dma2 semaphore(%run_scoped3A_75 : memref<!tpu.dma_semaphore, #tpu.memory_space<semaphore_mem>>) src(%dma_wait3A_91 : memref<128xi32, #tpu.memory_space<hbm>>) dst(%dma_wait3A_90 : memref<128xi32, #tpu.memory_space<vmem>>)
          tpu.yield
        }) : () -> ()
        %dma_start3A_63 = arith.constant 0 : i32
        %dma_start3A_64 = arith.constant 0 : i32
        %dma_start3A_65 = arith.constant 0 : i32
        %dma_start3A_66 = arith.constant 0 : i32
        %dma_start3A_67 = tpu.memref_slice %arg6[%dma_start3A_64, %dma_start3A_65, %dma_start3A_66] : memref<2x128x128xf32, #tpu.memory_space<vmem>> -> memref<1x128x128xf32, #tpu.memory_space<vmem>>
        %dma_start3A_68 = tpu.memref_squeeze %dma_start3A_67 : memref<1x128x128xf32, #tpu.memory_space<vmem>> -> memref<128x128xf32, #tpu.memory_space<vmem>>
        %dma_start3A_69 = arith.constant 0 : i32
        %dma_start3A_70 = tpu.memref_slice %arg5[%dma_start3A_63, %dma_start3A_69] : memref<2x128xi32, #tpu.memory_space<vmem>> -> memref<1x128xi32, #tpu.memory_space<vmem>>
        %dma_start3A_71 = tpu.memref_squeeze %dma_start3A_70 : memref<1x128xi32, #tpu.memory_space<vmem>> -> memref<128xi32, #tpu.memory_space<vmem>>
        %dma_start3A_72 = arith.constant 0 : i32
        %dma_start3A_73 = arith.constant 0 : i32
        %dma_start3A_74 = tpu.memref_slice %arg3[%dma_start3A_72, %dma_start3A_73] : memref<102001x128xf32, #tpu.memory_space<hbm>> -> memref<102001x128xf32, #tpu.memory_space<hbm>>
        tpu.enqueue_indirect_dma source(%dma_start3A_74 : memref<102001x128xf32, #tpu.memory_space<hbm>>) target(%dma_start3A_68 : memref<128x128xf32, #tpu.memory_space<vmem>>) offsets(%dma_start3A_71 : memref<128xi32, #tpu.memory_space<vmem>>) semaphore(%arg7 : memref<!tpu.dma_semaphore, #tpu.memory_space<semaphore_mem>>)
      } else {
      }
      %add3A_50 = arith.constant 1 : i32
      %add3A_51 = arith.addi %mul3A_23, %add3A_50 : i32
      %lt3A_52 = arith.constant 50 : i32
      %lt3A_53 = arith.cmpi slt, %add3A_51, %lt3A_52 : i32
      %convert_element_type3A_54 = arith.extui %lt3A_53 : i1 to i32
      %cond3A_55 = arith.constant 0 : i32
      %cond3A_56 = arith.cmpi ne, %convert_element_type3A_54, %cond3A_55 : i32
      scf.if %cond3A_56 {
        %add3A_57 = arith.constant 1 : i32
        %add3A_58 = arith.addi %mul3A_23, %add3A_57 : i32
        %mul3A_59 = arith.constant 128 : i32
        %mul3A_60 = arith.muli %add3A_58, %mul3A_59 : i32
        %add3A_61 = arith.addi %mul3A_2, %mul3A_60 : i32
        %dma_wait3A_62 = arith.constant 1 : i32
        %dma_wait3A_63 = arith.constant 1 : i32
        %dma_wait3A_64 = arith.constant 0 : i32
        %dma_wait3A_65 = arith.constant 0 : i32
        %dma_wait3A_66 = tpu.memref_slice %arg6[%dma_wait3A_63, %dma_wait3A_64, %dma_wait3A_65] : memref<2x128x128xf32, #tpu.memory_space<vmem>> -> memref<1x128x128xf32, #tpu.memory_space<vmem>>
        %dma_wait3A_67 = tpu.memref_squeeze %dma_wait3A_66 : memref<1x128x128xf32, #tpu.memory_space<vmem>> -> memref<128x128xf32, #tpu.memory_space<vmem>>
        %dma_wait3A_68 = arith.constant 0 : i32
        %dma_wait3A_69 = tpu.memref_slice %arg5[%dma_wait3A_62, %dma_wait3A_68] : memref<2x128xi32, #tpu.memory_space<vmem>> -> memref<1x128xi32, #tpu.memory_space<vmem>>
        %dma_wait3A_70 = tpu.memref_squeeze %dma_wait3A_69 : memref<1x128xi32, #tpu.memory_space<vmem>> -> memref<128xi32, #tpu.memory_space<vmem>>
        %dma_wait3A_71 = arith.constant 0 : i32
        %dma_wait3A_72 = arith.constant 0 : i32
        %dma_wait3A_73 = tpu.memref_slice %arg3[%dma_wait3A_71, %dma_wait3A_72] : memref<102001x128xf32, #tpu.memory_space<hbm>> -> memref<102001x128xf32, #tpu.memory_space<hbm>>
        tpu.wait_indirect_dma semaphore(%arg7 : memref<!tpu.dma_semaphore, #tpu.memory_space<semaphore_mem>>) src(%dma_wait3A_73 : memref<102001x128xf32, #tpu.memory_space<hbm>>) dst(%dma_wait3A_67 : memref<128x128xf32, #tpu.memory_space<vmem>>)
        %run_scoped3A_74 = arith.constant 1 : i32
        "tpu.region"() ({
          %run_scoped3A_75 = tpu.sem_alloc : memref<!tpu.dma_semaphore, #tpu.memory_space<semaphore_mem>>
          %dma_start3A_76 = arith.constant 0 : i32
          %dma_start3A_77 = arith.constant 0 : i32
          %dma_start3A_78 = tpu.memref_slice %arg6[%run_scoped3A_74, %dma_start3A_76, %dma_start3A_77] : memref<2x128x128xf32, #tpu.memory_space<vmem>> -> memref<1x128x128xf32, #tpu.memory_space<vmem>>
          %dma_start3A_79 = tpu.memref_squeeze %dma_start3A_78 : memref<1x128x128xf32, #tpu.memory_space<vmem>> -> memref<128x128xf32, #tpu.memory_space<vmem>>
          %dma_start3A_80 = arith.constant 0 : i32
          %dma_start3A_81 = tpu.memref_slice %arg4[%add3A_61, %dma_start3A_80] : memref<204800x128xf32, #tpu.memory_space<hbm>> -> memref<128x128xf32, #tpu.memory_space<hbm>>
          %dma_start3A_82 = arith.constant 0 : i32
          %dma_start3A_83 = tpu.memref_slice %arg4[%add3A_61, %dma_start3A_82] : memref<204800x128xf32, #tpu.memory_space<hbm>> -> memref<128x128xf32, #tpu.memory_space<hbm>>
          %dma_start3A_84 = arith.constant 0 : i32
          %dma_start3A_85 = arith.constant 0 : i32
          %dma_start3A_86 = tpu.memref_slice %arg6[%run_scoped3A_74, %dma_start3A_84, %dma_start3A_85] : memref<2x128x128xf32, #tpu.memory_space<vmem>> -> memref<1x128x128xf32, #tpu.memory_space<vmem>>
          %dma_start3A_87 = tpu.memref_squeeze %dma_start3A_86 : memref<1x128x128xf32, #tpu.memory_space<vmem>> -> memref<128x128xf32, #tpu.memory_space<vmem>>
          tpu.enqueue_dma source(%dma_start3A_87 : memref<128x128xf32, #tpu.memory_space<vmem>>) target(%dma_start3A_83 : memref<128x128xf32, #tpu.memory_space<hbm>>) target_semaphore(%run_scoped3A_75 : memref<!tpu.dma_semaphore, #tpu.memory_space<semaphore_mem>>)
          %dma_wait3A_88 = arith.constant 0 : i32
          %dma_wait3A_89 = arith.constant 0 : i32
          %dma_wait3A_90 = tpu.memref_slice %arg6[%run_scoped3A_74, %dma_wait3A_88, %dma_wait3A_89] : memref<2x128x128xf32, #tpu.memory_space<vmem>> -> memref<1x128x128xf32, #tpu.memory_space<vmem>>
          %dma_wait3A_91 = tpu.memref_squeeze %dma_wait3A_90 : memref<1x128x128xf32, #tpu.memory_space<vmem>> -> memref<128x128xf32, #tpu.memory_space<vmem>>
          %dma_wait3A_92 = arith.constant 0 : i32
          %dma_wait3A_93 = tpu.memref_slice %arg4[%add3A_61, %dma_wait3A_92] : memref<204800x128xf32, #tpu.memory_space<hbm>> -> memref<128x128xf32, #tpu.memory_space<hbm>>
          %dma_wait3A_94 = arith.constant 0 : i32
          %dma_wait3A_95 = tpu.memref_slice %arg4[%add3A_61, %dma_wait3A_94] : memref<204800x128xf32, #tpu.memory_space<hbm>> -> memref<128x128xf32, #tpu.memory_space<hbm>>
          %dma_wait3A_96 = arith.constant 0 : i32
          %dma_wait3A_97 = arith.constant 0 : i32
          %dma_wait3A_98 = tpu.memref_slice %arg6[%run_scoped3A_74, %dma_wait3A_96, %dma_wait3A_97] : memref<2x128x128xf32, #tpu.memory_space<vmem>> -> memref<1x128x128xf32, #tpu.memory_space<vmem>>
          %dma_wait3A_99 = tpu.memref_squeeze %dma_wait3A_98 : memref<1x128x128xf32, #tpu.memory_space<vmem>> -> memref<128x128xf32, #tpu.memory_space<vmem>>
          tpu.wait_dma2 semaphore(%run_scoped3A_75 : memref<!tpu.dma_semaphore, #tpu.memory_space<semaphore_mem>>) src(%dma_wait3A_99 : memref<128x128xf32, #tpu.memory_space<vmem>>) dst(%dma_wait3A_95 : memref<128x128xf32, #tpu.memory_space<hbm>>)
          tpu.yield
        }) : () -> ()
      } else {
      }
    }
    %scan3A_20 = arith.constant 25 : i32
    return
  }
}

module attributes {stable_mosaic.version = 14 : i64} {
  func.func @_tc_body(%arg0: i32, %arg1: memref<16x200x128xf32, #tpu.memory_space<vmem>>, %arg2: memref<16x200x200xf32, #tpu.memory_space<vmem>>, %arg3: memref<3200x1xi32, #tpu.memory_space<vmem>>, %arg4: memref<16x200x50xf32, #tpu.memory_space<vmem>>, %arg5: memref<50x128xf32, #tpu.memory_space<vmem>>, %arg6: memref<4x128xf32, #tpu.memory_space<vmem>>, %arg7: memref<384x128xf32, #tpu.memory_space<vmem>>, %arg8: memref<128x128xf32, #tpu.memory_space<vmem>>, %arg9: memref<1x128xf32, #tpu.memory_space<vmem>>, %arg10: memref<16x200x128xf32, #tpu.memory_space<vmem>>) attributes {dimension_semantics = [#tpu.dimension_semantics<arbitrary>], iteration_bounds = array<i64: 64>, scalar_prefetch = 0 : i64, scratch_operands = 0 : i64, tpu.core_type = #tpu.core_type<tc>, window_params = [{transform_indices = @transform_0, window_bounds = array<i64: 16, 200, 128>}, {transform_indices = @transform_1, window_bounds = array<i64: 16, 200, 200>}, {transform_indices = @transform_2, window_bounds = array<i64: 3200, 1>}, {transform_indices = @transform_3, window_bounds = array<i64: 16, 200, 50>}, {pipeline_mode = #tpu.pipeline_mode<synchronous>, transform_indices = @transform_4, window_bounds = array<i64: 50, 128>}, {pipeline_mode = #tpu.pipeline_mode<synchronous>, transform_indices = @transform_5, window_bounds = array<i64: 4, 128>}, {pipeline_mode = #tpu.pipeline_mode<synchronous>, transform_indices = @transform_6, window_bounds = array<i64: 384, 128>}, {pipeline_mode = #tpu.pipeline_mode<synchronous>, transform_indices = @transform_7, window_bounds = array<i64: 128, 128>}, {pipeline_mode = #tpu.pipeline_mode<synchronous>, transform_indices = @transform_8, window_bounds = array<i64: 1, 128>}, {transform_indices = @transform_9, window_bounds = array<i64: 16, 200, 128>}]} {
    %get3A = arith.constant 0 : index
    %get3A_0 = arith.constant 0 : index
    %get3A_1 = vector.load %arg3[%get3A, %get3A_0] : memref<3200x1xi32, #tpu.memory_space<vmem>>, vector<3200x1xi32>
    %min3A = arith.constant 1 : i32
    %min3A_2 = vector.broadcast %min3A : i32 to vector<3200x1xi32>
    %min3A_3 = arith.minsi %get3A_1, %min3A_2 : vector<3200x1xi32>
    %convert_element_type3A = arith.sitofp %min3A_3 : vector<3200x1xi32> to vector<3200x1xf32>
    %iota3A = tpu.iota {dimensions = array<i32: 1>} : vector<1x4xi32>
    %eq3A = vector.broadcast %get3A_1 : vector<3200x1xi32> to vector<3200x4xi32>
    %eq3A_4 = vector.broadcast %iota3A : vector<1x4xi32> to vector<3200x4xi32>
    %eq3A_5 = arith.cmpi eq, %eq3A, %eq3A_4 : vector<3200x4xi32>
    %convert_element_type3A_6 = arith.extui %eq3A_5 : vector<3200x4xi1> to vector<3200x4xi32>
    %convert_element_type3A_7 = arith.sitofp %convert_element_type3A_6 : vector<3200x4xi32> to vector<3200x4xf32>
    %get3A_8 = arith.constant 0 : index
    %get3A_9 = arith.constant 0 : index
    %get3A_10 = vector.load %arg6[%get3A_8, %get3A_9] : memref<4x128xf32, #tpu.memory_space<vmem>>, vector<4x128xf32>
    %dot_general3A = arith.constant dense<0.000000e+00> : vector<3200x128xf32>
    %dot_general3A_11 = tpu.matmul %convert_element_type3A_7, %get3A_10, %dot_general3A {dimension_numbers = #tpu.dot_dimension_numbers<[1], [0], [0], [1], [0, 0, 1, 1], [], []>, transpose_lhs_hint = false} : vector<3200x4xf32>, vector<4x128xf32>, vector<3200x128xf32> -> vector<3200x128xf32>
    %get3A_12 = arith.constant 0 : index
    %get3A_13 = arith.constant 0 : index
    %get3A_14 = arith.constant 0 : index
    %get3A_15 = vector.load %arg4[%get3A_12, %get3A_13, %get3A_14] : memref<16x200x50xf32, #tpu.memory_space<vmem>>, vector<16x200x50xf32>
    %reshape3A = vector.shape_cast %get3A_15 : vector<16x200x50xf32> to vector<3200x50xf32>
    %reduce_sum3A = arith.constant dense<0.000000e+00> : vector<3200xf32>
    %reduce_sum3A_16 = vector.multi_reduction <add>, %reshape3A, %reduce_sum3A [1] : vector<3200x50xf32> to vector<3200xf32>
    %broadcast_in_dim3A = vector.shape_cast %reduce_sum3A_16 : vector<3200xf32> to vector<3200x1xf32>
    %get3A_17 = arith.constant 0 : index
    %get3A_18 = arith.constant 0 : index
    %get3A_19 = vector.load %arg5[%get3A_17, %get3A_18] : memref<50x128xf32, #tpu.memory_space<vmem>>, vector<50x128xf32>
    %dot_general3A_20 = arith.constant dense<0.000000e+00> : vector<3200x128xf32>
    %dot_general3A_21 = tpu.matmul %reshape3A, %get3A_19, %dot_general3A_20 {dimension_numbers = #tpu.dot_dimension_numbers<[1], [0], [0], [1], [0, 0, 1, 1], [], []>, transpose_lhs_hint = false} : vector<3200x50xf32>, vector<50x128xf32>, vector<3200x128xf32> -> vector<3200x128xf32>
    %add3A = arith.constant 9.99999971E-10 : f32
    %add3A_22 = vector.broadcast %add3A : f32 to vector<3200x1xf32>
    %add3A_23 = arith.addf %broadcast_in_dim3A, %add3A_22 : vector<3200x1xf32>
    %div3A = vector.broadcast %add3A_23 : vector<3200x1xf32> to vector<3200x128xf32>
    %div3A_24 = arith.divf %dot_general3A_21, %div3A : vector<3200x128xf32>
    %mul3A = vector.broadcast %convert_element_type3A : vector<3200x1xf32> to vector<3200x128xf32>
    %mul3A_25 = arith.mulf %div3A_24, %mul3A : vector<3200x128xf32>
    %get3A_26 = arith.constant 0 : index
    %get3A_27 = arith.constant 0 : index
    %get3A_28 = arith.constant 0 : index
    %get3A_29 = vector.load %arg1[%get3A_26, %get3A_27, %get3A_28] : memref<16x200x128xf32, #tpu.memory_space<vmem>>, vector<16x200x128xf32>
    %reshape3A_30 = vector.shape_cast %get3A_29 : vector<16x200x128xf32> to vector<3200x128xf32>
    %concatenate3A = tpu.concatenate %reshape3A_30, %dot_general3A_11, %mul3A_25 in 1 : vector<3200x128xf32>, vector<3200x128xf32>, vector<3200x128xf32> -> vector<3200x384xf32>
    %get3A_31 = arith.constant 0 : index
    %get3A_32 = arith.constant 0 : index
    %get3A_33 = vector.load %arg7[%get3A_31, %get3A_32] : memref<384x128xf32, #tpu.memory_space<vmem>>, vector<384x128xf32>
    %dot_general3A_34 = arith.constant dense<0.000000e+00> : vector<3200x128xf32>
    %dot_general3A_35 = tpu.matmul %concatenate3A, %get3A_33, %dot_general3A_34 {dimension_numbers = #tpu.dot_dimension_numbers<[1], [0], [0], [1], [0, 0, 1, 1], [], []>, transpose_lhs_hint = false} : vector<3200x384xf32>, vector<384x128xf32>, vector<3200x128xf32> -> vector<3200x128xf32>
    %get3A_36 = arith.constant 0 : index
    %get3A_37 = arith.constant 0 : index
    %get3A_38 = vector.load %arg8[%get3A_36, %get3A_37] : memref<128x128xf32, #tpu.memory_space<vmem>>, vector<128x128xf32>
    %get3A_39 = arith.constant 0 : index
    %get3A_40 = arith.constant 0 : index
    %get3A_41 = vector.load %arg9[%get3A_39, %get3A_40] : memref<1x128xf32, #tpu.memory_space<vmem>>, vector<1x128xf32>
    %slice3A = vector.extract_strided_slice %dot_general3A_35 {offsets = [0, 0], sizes = [200, 128], strides = [1, 1]} : vector<3200x128xf32> to vector<200x128xf32>
    %get3A_42 = arith.constant 0 : index
    %get3A_43 = arith.constant 0 : index
    %get3A_44 = arith.constant 0 : index
    %get3A_45 = vector.load %arg2[%get3A_42, %get3A_43, %get3A_44] : memref<16x200x200xf32, #tpu.memory_space<vmem>>, vector<1x200x200xf32>
    %get3A_46 = vector.shape_cast %get3A_45 : vector<1x200x200xf32> to vector<200x200xf32>
    %dot_general3A_47 = arith.constant dense<0.000000e+00> : vector<200x128xf32>
    %dot_general3A_48 = tpu.matmul %get3A_46, %slice3A, %dot_general3A_47 {dimension_numbers = #tpu.dot_dimension_numbers<[1], [0], [0], [1], [0, 0, 1, 1], [], []>, transpose_lhs_hint = false} : vector<200x200xf32>, vector<200x128xf32>, vector<200x128xf32> -> vector<200x128xf32>
    %dot_general3A_49 = arith.constant dense<0.000000e+00> : vector<200x128xf32>
    %dot_general3A_50 = tpu.matmul %dot_general3A_48, %get3A_38, %dot_general3A_49 {dimension_numbers = #tpu.dot_dimension_numbers<[1], [0], [0], [1], [0, 0, 1, 1], [], []>, transpose_lhs_hint = false} : vector<200x128xf32>, vector<128x128xf32>, vector<200x128xf32> -> vector<200x128xf32>
    %slice3A_51 = vector.extract_strided_slice %dot_general3A_35 {offsets = [200, 0], sizes = [200, 128], strides = [1, 1]} : vector<3200x128xf32> to vector<200x128xf32>
    %get3A_52 = arith.constant 1 : index
    %get3A_53 = arith.constant 0 : index
    %get3A_54 = arith.constant 0 : index
    %get3A_55 = vector.load %arg2[%get3A_52, %get3A_53, %get3A_54] : memref<16x200x200xf32, #tpu.memory_space<vmem>>, vector<1x200x200xf32>
    %get3A_56 = vector.shape_cast %get3A_55 : vector<1x200x200xf32> to vector<200x200xf32>
    %dot_general3A_57 = arith.constant dense<0.000000e+00> : vector<200x128xf32>
    %dot_general3A_58 = tpu.matmul %get3A_56, %slice3A_51, %dot_general3A_57 {dimension_numbers = #tpu.dot_dimension_numbers<[1], [0], [0], [1], [0, 0, 1, 1], [], []>, transpose_lhs_hint = false} : vector<200x200xf32>, vector<200x128xf32>, vector<200x128xf32> -> vector<200x128xf32>
    %dot_general3A_59 = arith.constant dense<0.000000e+00> : vector<200x128xf32>
    %dot_general3A_60 = tpu.matmul %dot_general3A_58, %get3A_38, %dot_general3A_59 {dimension_numbers = #tpu.dot_dimension_numbers<[1], [0], [0], [1], [0, 0, 1, 1], [], []>, transpose_lhs_hint = false} : vector<200x128xf32>, vector<128x128xf32>, vector<200x128xf32> -> vector<200x128xf32>
    %slice3A_61 = vector.extract_strided_slice %dot_general3A_35 {offsets = [400, 0], sizes = [200, 128], strides = [1, 1]} : vector<3200x128xf32> to vector<200x128xf32>
    %get3A_62 = arith.constant 2 : index
    %get3A_63 = arith.constant 0 : index
    %get3A_64 = arith.constant 0 : index
    %get3A_65 = vector.load %arg2[%get3A_62, %get3A_63, %get3A_64] : memref<16x200x200xf32, #tpu.memory_space<vmem>>, vector<1x200x200xf32>
    %get3A_66 = vector.shape_cast %get3A_65 : vector<1x200x200xf32> to vector<200x200xf32>
    %dot_general3A_67 = arith.constant dense<0.000000e+00> : vector<200x128xf32>
    %dot_general3A_68 = tpu.matmul %get3A_66, %slice3A_61, %dot_general3A_67 {dimension_numbers = #tpu.dot_dimension_numbers<[1], [0], [0], [1], [0, 0, 1, 1], [], []>, transpose_lhs_hint = false} : vector<200x200xf32>, vector<200x128xf32>, vector<200x128xf32> -> vector<200x128xf32>
    %dot_general3A_69 = arith.constant dense<0.000000e+00> : vector<200x128xf32>
    %dot_general3A_70 = tpu.matmul %dot_general3A_68, %get3A_38, %dot_general3A_69 {dimension_numbers = #tpu.dot_dimension_numbers<[1], [0], [0], [1], [0, 0, 1, 1], [], []>, transpose_lhs_hint = false} : vector<200x128xf32>, vector<128x128xf32>, vector<200x128xf32> -> vector<200x128xf32>
    %slice3A_71 = vector.extract_strided_slice %dot_general3A_35 {offsets = [600, 0], sizes = [200, 128], strides = [1, 1]} : vector<3200x128xf32> to vector<200x128xf32>
    %get3A_72 = arith.constant 3 : index
    %get3A_73 = arith.constant 0 : index
    %get3A_74 = arith.constant 0 : index
    %get3A_75 = vector.load %arg2[%get3A_72, %get3A_73, %get3A_74] : memref<16x200x200xf32, #tpu.memory_space<vmem>>, vector<1x200x200xf32>
    %get3A_76 = vector.shape_cast %get3A_75 : vector<1x200x200xf32> to vector<200x200xf32>
    %dot_general3A_77 = arith.constant dense<0.000000e+00> : vector<200x128xf32>
    %dot_general3A_78 = tpu.matmul %get3A_76, %slice3A_71, %dot_general3A_77 {dimension_numbers = #tpu.dot_dimension_numbers<[1], [0], [0], [1], [0, 0, 1, 1], [], []>, transpose_lhs_hint = false} : vector<200x200xf32>, vector<200x128xf32>, vector<200x128xf32> -> vector<200x128xf32>
    %dot_general3A_79 = arith.constant dense<0.000000e+00> : vector<200x128xf32>
    %dot_general3A_80 = tpu.matmul %dot_general3A_78, %get3A_38, %dot_general3A_79 {dimension_numbers = #tpu.dot_dimension_numbers<[1], [0], [0], [1], [0, 0, 1, 1], [], []>, transpose_lhs_hint = false} : vector<200x128xf32>, vector<128x128xf32>, vector<200x128xf32> -> vector<200x128xf32>
    %slice3A_81 = vector.extract_strided_slice %dot_general3A_35 {offsets = [800, 0], sizes = [200, 128], strides = [1, 1]} : vector<3200x128xf32> to vector<200x128xf32>
    %get3A_82 = arith.constant 4 : index
    %get3A_83 = arith.constant 0 : index
    %get3A_84 = arith.constant 0 : index
    %get3A_85 = vector.load %arg2[%get3A_82, %get3A_83, %get3A_84] : memref<16x200x200xf32, #tpu.memory_space<vmem>>, vector<1x200x200xf32>
    %get3A_86 = vector.shape_cast %get3A_85 : vector<1x200x200xf32> to vector<200x200xf32>
    %dot_general3A_87 = arith.constant dense<0.000000e+00> : vector<200x128xf32>
    %dot_general3A_88 = tpu.matmul %get3A_86, %slice3A_81, %dot_general3A_87 {dimension_numbers = #tpu.dot_dimension_numbers<[1], [0], [0], [1], [0, 0, 1, 1], [], []>, transpose_lhs_hint = false} : vector<200x200xf32>, vector<200x128xf32>, vector<200x128xf32> -> vector<200x128xf32>
    %dot_general3A_89 = arith.constant dense<0.000000e+00> : vector<200x128xf32>
    %dot_general3A_90 = tpu.matmul %dot_general3A_88, %get3A_38, %dot_general3A_89 {dimension_numbers = #tpu.dot_dimension_numbers<[1], [0], [0], [1], [0, 0, 1, 1], [], []>, transpose_lhs_hint = false} : vector<200x128xf32>, vector<128x128xf32>, vector<200x128xf32> -> vector<200x128xf32>
    %slice3A_91 = vector.extract_strided_slice %dot_general3A_35 {offsets = [1000, 0], sizes = [200, 128], strides = [1, 1]} : vector<3200x128xf32> to vector<200x128xf32>
    %get3A_92 = arith.constant 5 : index
    %get3A_93 = arith.constant 0 : index
    %get3A_94 = arith.constant 0 : index
    %get3A_95 = vector.load %arg2[%get3A_92, %get3A_93, %get3A_94] : memref<16x200x200xf32, #tpu.memory_space<vmem>>, vector<1x200x200xf32>
    %get3A_96 = vector.shape_cast %get3A_95 : vector<1x200x200xf32> to vector<200x200xf32>
    %dot_general3A_97 = arith.constant dense<0.000000e+00> : vector<200x128xf32>
    %dot_general3A_98 = tpu.matmul %get3A_96, %slice3A_91, %dot_general3A_97 {dimension_numbers = #tpu.dot_dimension_numbers<[1], [0], [0], [1], [0, 0, 1, 1], [], []>, transpose_lhs_hint = false} : vector<200x200xf32>, vector<200x128xf32>, vector<200x128xf32> -> vector<200x128xf32>
    %dot_general3A_99 = arith.constant dense<0.000000e+00> : vector<200x128xf32>
    %dot_general3A_100 = tpu.matmul %dot_general3A_98, %get3A_38, %dot_general3A_99 {dimension_numbers = #tpu.dot_dimension_numbers<[1], [0], [0], [1], [0, 0, 1, 1], [], []>, transpose_lhs_hint = false} : vector<200x128xf32>, vector<128x128xf32>, vector<200x128xf32> -> vector<200x128xf32>
    %slice3A_101 = vector.extract_strided_slice %dot_general3A_35 {offsets = [1200, 0], sizes = [200, 128], strides = [1, 1]} : vector<3200x128xf32> to vector<200x128xf32>
    %get3A_102 = arith.constant 6 : index
    %get3A_103 = arith.constant 0 : index
    %get3A_104 = arith.constant 0 : index
    %get3A_105 = vector.load %arg2[%get3A_102, %get3A_103, %get3A_104] : memref<16x200x200xf32, #tpu.memory_space<vmem>>, vector<1x200x200xf32>
    %get3A_106 = vector.shape_cast %get3A_105 : vector<1x200x200xf32> to vector<200x200xf32>
    %dot_general3A_107 = arith.constant dense<0.000000e+00> : vector<200x128xf32>
    %dot_general3A_108 = tpu.matmul %get3A_106, %slice3A_101, %dot_general3A_107 {dimension_numbers = #tpu.dot_dimension_numbers<[1], [0], [0], [1], [0, 0, 1, 1], [], []>, transpose_lhs_hint = false} : vector<200x200xf32>, vector<200x128xf32>, vector<200x128xf32> -> vector<200x128xf32>
    %dot_general3A_109 = arith.constant dense<0.000000e+00> : vector<200x128xf32>
    %dot_general3A_110 = tpu.matmul %dot_general3A_108, %get3A_38, %dot_general3A_109 {dimension_numbers = #tpu.dot_dimension_numbers<[1], [0], [0], [1], [0, 0, 1, 1], [], []>, transpose_lhs_hint = false} : vector<200x128xf32>, vector<128x128xf32>, vector<200x128xf32> -> vector<200x128xf32>
    %slice3A_111 = vector.extract_strided_slice %dot_general3A_35 {offsets = [1400, 0], sizes = [200, 128], strides = [1, 1]} : vector<3200x128xf32> to vector<200x128xf32>
    %get3A_112 = arith.constant 7 : index
    %get3A_113 = arith.constant 0 : index
    %get3A_114 = arith.constant 0 : index
    %get3A_115 = vector.load %arg2[%get3A_112, %get3A_113, %get3A_114] : memref<16x200x200xf32, #tpu.memory_space<vmem>>, vector<1x200x200xf32>
    %get3A_116 = vector.shape_cast %get3A_115 : vector<1x200x200xf32> to vector<200x200xf32>
    %dot_general3A_117 = arith.constant dense<0.000000e+00> : vector<200x128xf32>
    %dot_general3A_118 = tpu.matmul %get3A_116, %slice3A_111, %dot_general3A_117 {dimension_numbers = #tpu.dot_dimension_numbers<[1], [0], [0], [1], [0, 0, 1, 1], [], []>, transpose_lhs_hint = false} : vector<200x200xf32>, vector<200x128xf32>, vector<200x128xf32> -> vector<200x128xf32>
    %dot_general3A_119 = arith.constant dense<0.000000e+00> : vector<200x128xf32>
    %dot_general3A_120 = tpu.matmul %dot_general3A_118, %get3A_38, %dot_general3A_119 {dimension_numbers = #tpu.dot_dimension_numbers<[1], [0], [0], [1], [0, 0, 1, 1], [], []>, transpose_lhs_hint = false} : vector<200x128xf32>, vector<128x128xf32>, vector<200x128xf32> -> vector<200x128xf32>
    %slice3A_121 = vector.extract_strided_slice %dot_general3A_35 {offsets = [1600, 0], sizes = [200, 128], strides = [1, 1]} : vector<3200x128xf32> to vector<200x128xf32>
    %get3A_122 = arith.constant 8 : index
    %get3A_123 = arith.constant 0 : index
    %get3A_124 = arith.constant 0 : index
    %get3A_125 = vector.load %arg2[%get3A_122, %get3A_123, %get3A_124] : memref<16x200x200xf32, #tpu.memory_space<vmem>>, vector<1x200x200xf32>
    %get3A_126 = vector.shape_cast %get3A_125 : vector<1x200x200xf32> to vector<200x200xf32>
    %dot_general3A_127 = arith.constant dense<0.000000e+00> : vector<200x128xf32>
    %dot_general3A_128 = tpu.matmul %get3A_126, %slice3A_121, %dot_general3A_127 {dimension_numbers = #tpu.dot_dimension_numbers<[1], [0], [0], [1], [0, 0, 1, 1], [], []>, transpose_lhs_hint = false} : vector<200x200xf32>, vector<200x128xf32>, vector<200x128xf32> -> vector<200x128xf32>
    %dot_general3A_129 = arith.constant dense<0.000000e+00> : vector<200x128xf32>
    %dot_general3A_130 = tpu.matmul %dot_general3A_128, %get3A_38, %dot_general3A_129 {dimension_numbers = #tpu.dot_dimension_numbers<[1], [0], [0], [1], [0, 0, 1, 1], [], []>, transpose_lhs_hint = false} : vector<200x128xf32>, vector<128x128xf32>, vector<200x128xf32> -> vector<200x128xf32>
    %slice3A_131 = vector.extract_strided_slice %dot_general3A_35 {offsets = [1800, 0], sizes = [200, 128], strides = [1, 1]} : vector<3200x128xf32> to vector<200x128xf32>
    %get3A_132 = arith.constant 9 : index
    %get3A_133 = arith.constant 0 : index
    %get3A_134 = arith.constant 0 : index
    %get3A_135 = vector.load %arg2[%get3A_132, %get3A_133, %get3A_134] : memref<16x200x200xf32, #tpu.memory_space<vmem>>, vector<1x200x200xf32>
    %get3A_136 = vector.shape_cast %get3A_135 : vector<1x200x200xf32> to vector<200x200xf32>
    %dot_general3A_137 = arith.constant dense<0.000000e+00> : vector<200x128xf32>
    %dot_general3A_138 = tpu.matmul %get3A_136, %slice3A_131, %dot_general3A_137 {dimension_numbers = #tpu.dot_dimension_numbers<[1], [0], [0], [1], [0, 0, 1, 1], [], []>, transpose_lhs_hint = false} : vector<200x200xf32>, vector<200x128xf32>, vector<200x128xf32> -> vector<200x128xf32>
    %dot_general3A_139 = arith.constant dense<0.000000e+00> : vector<200x128xf32>
    %dot_general3A_140 = tpu.matmul %dot_general3A_138, %get3A_38, %dot_general3A_139 {dimension_numbers = #tpu.dot_dimension_numbers<[1], [0], [0], [1], [0, 0, 1, 1], [], []>, transpose_lhs_hint = false} : vector<200x128xf32>, vector<128x128xf32>, vector<200x128xf32> -> vector<200x128xf32>
    %slice3A_141 = vector.extract_strided_slice %dot_general3A_35 {offsets = [2000, 0], sizes = [200, 128], strides = [1, 1]} : vector<3200x128xf32> to vector<200x128xf32>
    %get3A_142 = arith.constant 10 : index
    %get3A_143 = arith.constant 0 : index
    %get3A_144 = arith.constant 0 : index
    %get3A_145 = vector.load %arg2[%get3A_142, %get3A_143, %get3A_144] : memref<16x200x200xf32, #tpu.memory_space<vmem>>, vector<1x200x200xf32>
    %get3A_146 = vector.shape_cast %get3A_145 : vector<1x200x200xf32> to vector<200x200xf32>
    %dot_general3A_147 = arith.constant dense<0.000000e+00> : vector<200x128xf32>
    %dot_general3A_148 = tpu.matmul %get3A_146, %slice3A_141, %dot_general3A_147 {dimension_numbers = #tpu.dot_dimension_numbers<[1], [0], [0], [1], [0, 0, 1, 1], [], []>, transpose_lhs_hint = false} : vector<200x200xf32>, vector<200x128xf32>, vector<200x128xf32> -> vector<200x128xf32>
    %dot_general3A_149 = arith.constant dense<0.000000e+00> : vector<200x128xf32>
    %dot_general3A_150 = tpu.matmul %dot_general3A_148, %get3A_38, %dot_general3A_149 {dimension_numbers = #tpu.dot_dimension_numbers<[1], [0], [0], [1], [0, 0, 1, 1], [], []>, transpose_lhs_hint = false} : vector<200x128xf32>, vector<128x128xf32>, vector<200x128xf32> -> vector<200x128xf32>
    %slice3A_151 = vector.extract_strided_slice %dot_general3A_35 {offsets = [2200, 0], sizes = [200, 128], strides = [1, 1]} : vector<3200x128xf32> to vector<200x128xf32>
    %get3A_152 = arith.constant 11 : index
    %get3A_153 = arith.constant 0 : index
    %get3A_154 = arith.constant 0 : index
    %get3A_155 = vector.load %arg2[%get3A_152, %get3A_153, %get3A_154] : memref<16x200x200xf32, #tpu.memory_space<vmem>>, vector<1x200x200xf32>
    %get3A_156 = vector.shape_cast %get3A_155 : vector<1x200x200xf32> to vector<200x200xf32>
    %dot_general3A_157 = arith.constant dense<0.000000e+00> : vector<200x128xf32>
    %dot_general3A_158 = tpu.matmul %get3A_156, %slice3A_151, %dot_general3A_157 {dimension_numbers = #tpu.dot_dimension_numbers<[1], [0], [0], [1], [0, 0, 1, 1], [], []>, transpose_lhs_hint = false} : vector<200x200xf32>, vector<200x128xf32>, vector<200x128xf32> -> vector<200x128xf32>
    %dot_general3A_159 = arith.constant dense<0.000000e+00> : vector<200x128xf32>
    %dot_general3A_160 = tpu.matmul %dot_general3A_158, %get3A_38, %dot_general3A_159 {dimension_numbers = #tpu.dot_dimension_numbers<[1], [0], [0], [1], [0, 0, 1, 1], [], []>, transpose_lhs_hint = false} : vector<200x128xf32>, vector<128x128xf32>, vector<200x128xf32> -> vector<200x128xf32>
    %slice3A_161 = vector.extract_strided_slice %dot_general3A_35 {offsets = [2400, 0], sizes = [200, 128], strides = [1, 1]} : vector<3200x128xf32> to vector<200x128xf32>
    %get3A_162 = arith.constant 12 : index
    %get3A_163 = arith.constant 0 : index
    %get3A_164 = arith.constant 0 : index
    %get3A_165 = vector.load %arg2[%get3A_162, %get3A_163, %get3A_164] : memref<16x200x200xf32, #tpu.memory_space<vmem>>, vector<1x200x200xf32>
    %get3A_166 = vector.shape_cast %get3A_165 : vector<1x200x200xf32> to vector<200x200xf32>
    %dot_general3A_167 = arith.constant dense<0.000000e+00> : vector<200x128xf32>
    %dot_general3A_168 = tpu.matmul %get3A_166, %slice3A_161, %dot_general3A_167 {dimension_numbers = #tpu.dot_dimension_numbers<[1], [0], [0], [1], [0, 0, 1, 1], [], []>, transpose_lhs_hint = false} : vector<200x200xf32>, vector<200x128xf32>, vector<200x128xf32> -> vector<200x128xf32>
    %dot_general3A_169 = arith.constant dense<0.000000e+00> : vector<200x128xf32>
    %dot_general3A_170 = tpu.matmul %dot_general3A_168, %get3A_38, %dot_general3A_169 {dimension_numbers = #tpu.dot_dimension_numbers<[1], [0], [0], [1], [0, 0, 1, 1], [], []>, transpose_lhs_hint = false} : vector<200x128xf32>, vector<128x128xf32>, vector<200x128xf32> -> vector<200x128xf32>
    %slice3A_171 = vector.extract_strided_slice %dot_general3A_35 {offsets = [2600, 0], sizes = [200, 128], strides = [1, 1]} : vector<3200x128xf32> to vector<200x128xf32>
    %get3A_172 = arith.constant 13 : index
    %get3A_173 = arith.constant 0 : index
    %get3A_174 = arith.constant 0 : index
    %get3A_175 = vector.load %arg2[%get3A_172, %get3A_173, %get3A_174] : memref<16x200x200xf32, #tpu.memory_space<vmem>>, vector<1x200x200xf32>
    %get3A_176 = vector.shape_cast %get3A_175 : vector<1x200x200xf32> to vector<200x200xf32>
    %dot_general3A_177 = arith.constant dense<0.000000e+00> : vector<200x128xf32>
    %dot_general3A_178 = tpu.matmul %get3A_176, %slice3A_171, %dot_general3A_177 {dimension_numbers = #tpu.dot_dimension_numbers<[1], [0], [0], [1], [0, 0, 1, 1], [], []>, transpose_lhs_hint = false} : vector<200x200xf32>, vector<200x128xf32>, vector<200x128xf32> -> vector<200x128xf32>
    %dot_general3A_179 = arith.constant dense<0.000000e+00> : vector<200x128xf32>
    %dot_general3A_180 = tpu.matmul %dot_general3A_178, %get3A_38, %dot_general3A_179 {dimension_numbers = #tpu.dot_dimension_numbers<[1], [0], [0], [1], [0, 0, 1, 1], [], []>, transpose_lhs_hint = false} : vector<200x128xf32>, vector<128x128xf32>, vector<200x128xf32> -> vector<200x128xf32>
    %slice3A_181 = vector.extract_strided_slice %dot_general3A_35 {offsets = [2800, 0], sizes = [200, 128], strides = [1, 1]} : vector<3200x128xf32> to vector<200x128xf32>
    %get3A_182 = arith.constant 14 : index
    %get3A_183 = arith.constant 0 : index
    %get3A_184 = arith.constant 0 : index
    %get3A_185 = vector.load %arg2[%get3A_182, %get3A_183, %get3A_184] : memref<16x200x200xf32, #tpu.memory_space<vmem>>, vector<1x200x200xf32>
    %get3A_186 = vector.shape_cast %get3A_185 : vector<1x200x200xf32> to vector<200x200xf32>
    %dot_general3A_187 = arith.constant dense<0.000000e+00> : vector<200x128xf32>
    %dot_general3A_188 = tpu.matmul %get3A_186, %slice3A_181, %dot_general3A_187 {dimension_numbers = #tpu.dot_dimension_numbers<[1], [0], [0], [1], [0, 0, 1, 1], [], []>, transpose_lhs_hint = false} : vector<200x200xf32>, vector<200x128xf32>, vector<200x128xf32> -> vector<200x128xf32>
    %dot_general3A_189 = arith.constant dense<0.000000e+00> : vector<200x128xf32>
    %dot_general3A_190 = tpu.matmul %dot_general3A_188, %get3A_38, %dot_general3A_189 {dimension_numbers = #tpu.dot_dimension_numbers<[1], [0], [0], [1], [0, 0, 1, 1], [], []>, transpose_lhs_hint = false} : vector<200x128xf32>, vector<128x128xf32>, vector<200x128xf32> -> vector<200x128xf32>
    %slice3A_191 = vector.extract_strided_slice %dot_general3A_35 {offsets = [3000, 0], sizes = [200, 128], strides = [1, 1]} : vector<3200x128xf32> to vector<200x128xf32>
    %get3A_192 = arith.constant 15 : index
    %get3A_193 = arith.constant 0 : index
    %get3A_194 = arith.constant 0 : index
    %get3A_195 = vector.load %arg2[%get3A_192, %get3A_193, %get3A_194] : memref<16x200x200xf32, #tpu.memory_space<vmem>>, vector<1x200x200xf32>
    %get3A_196 = vector.shape_cast %get3A_195 : vector<1x200x200xf32> to vector<200x200xf32>
    %dot_general3A_197 = arith.constant dense<0.000000e+00> : vector<200x128xf32>
    %dot_general3A_198 = tpu.matmul %get3A_196, %slice3A_191, %dot_general3A_197 {dimension_numbers = #tpu.dot_dimension_numbers<[1], [0], [0], [1], [0, 0, 1, 1], [], []>, transpose_lhs_hint = false} : vector<200x200xf32>, vector<200x128xf32>, vector<200x128xf32> -> vector<200x128xf32>
    %dot_general3A_199 = arith.constant dense<0.000000e+00> : vector<200x128xf32>
    %dot_general3A_200 = tpu.matmul %dot_general3A_198, %get3A_38, %dot_general3A_199 {dimension_numbers = #tpu.dot_dimension_numbers<[1], [0], [0], [1], [0, 0, 1, 1], [], []>, transpose_lhs_hint = false} : vector<200x128xf32>, vector<128x128xf32>, vector<200x128xf32> -> vector<200x128xf32>
    %concatenate3A_201 = tpu.concatenate %dot_general3A_50, %dot_general3A_60, %dot_general3A_70, %dot_general3A_80, %dot_general3A_90, %dot_general3A_100, %dot_general3A_110, %dot_general3A_120, %dot_general3A_130, %dot_general3A_140, %dot_general3A_150, %dot_general3A_160, %dot_general3A_170, %dot_general3A_180, %dot_general3A_190, %dot_general3A_200 in 0 : vector<200x128xf32>, vector<200x128xf32>, vector<200x128xf32>, vector<200x128xf32>, vector<200x128xf32>, vector<200x128xf32>, vector<200x128xf32>, vector<200x128xf32>, vector<200x128xf32>, vector<200x128xf32>, vector<200x128xf32>, vector<200x128xf32>, vector<200x128xf32>, vector<200x128xf32>, vector<200x128xf32>, vector<200x128xf32> -> vector<3200x128xf32>
    %add3A_202 = vector.broadcast %get3A_41 : vector<1x128xf32> to vector<3200x128xf32>
    %add3A_203 = arith.addf %concatenate3A_201, %add3A_202 : vector<3200x128xf32>
    %max3A = arith.constant 0.000000e+00 : f32
    %max3A_204 = vector.broadcast %max3A : f32 to vector<3200x128xf32>
    %max3A_205 = arith.maximumf %add3A_203, %max3A_204 : vector<3200x128xf32>
    %mul3A_206 = vector.broadcast %convert_element_type3A : vector<3200x1xf32> to vector<3200x128xf32>
    %mul3A_207 = arith.mulf %max3A_205, %mul3A_206 : vector<3200x128xf32>
    %slice3A_208 = vector.extract_strided_slice %mul3A_207 {offsets = [0, 0], sizes = [200, 128], strides = [1, 1]} : vector<3200x128xf32> to vector<200x128xf32>
    %get3A_209 = arith.constant 0 : index
    %get3A_210 = arith.constant 0 : index
    %get3A_211 = arith.constant 0 : index
    %get3A_212 = vector.load %arg2[%get3A_209, %get3A_210, %get3A_211] : memref<16x200x200xf32, #tpu.memory_space<vmem>>, vector<1x200x200xf32>
    %get3A_213 = vector.shape_cast %get3A_212 : vector<1x200x200xf32> to vector<200x200xf32>
    %dot_general3A_214 = arith.constant dense<0.000000e+00> : vector<200x128xf32>
    %dot_general3A_215 = tpu.matmul %get3A_213, %slice3A_208, %dot_general3A_214 {dimension_numbers = #tpu.dot_dimension_numbers<[1], [0], [0], [1], [0, 0, 1, 1], [], []>, transpose_lhs_hint = false} : vector<200x200xf32>, vector<200x128xf32>, vector<200x128xf32> -> vector<200x128xf32>
    %dot_general3A_216 = arith.constant dense<0.000000e+00> : vector<200x128xf32>
    %dot_general3A_217 = tpu.matmul %dot_general3A_215, %get3A_38, %dot_general3A_216 {dimension_numbers = #tpu.dot_dimension_numbers<[1], [0], [0], [1], [0, 0, 1, 1], [], []>, transpose_lhs_hint = false} : vector<200x128xf32>, vector<128x128xf32>, vector<200x128xf32> -> vector<200x128xf32>
    %slice3A_218 = vector.extract_strided_slice %mul3A_207 {offsets = [200, 0], sizes = [200, 128], strides = [1, 1]} : vector<3200x128xf32> to vector<200x128xf32>
    %get3A_219 = arith.constant 1 : index
    %get3A_220 = arith.constant 0 : index
    %get3A_221 = arith.constant 0 : index
    %get3A_222 = vector.load %arg2[%get3A_219, %get3A_220, %get3A_221] : memref<16x200x200xf32, #tpu.memory_space<vmem>>, vector<1x200x200xf32>
    %get3A_223 = vector.shape_cast %get3A_222 : vector<1x200x200xf32> to vector<200x200xf32>
    %dot_general3A_224 = arith.constant dense<0.000000e+00> : vector<200x128xf32>
    %dot_general3A_225 = tpu.matmul %get3A_223, %slice3A_218, %dot_general3A_224 {dimension_numbers = #tpu.dot_dimension_numbers<[1], [0], [0], [1], [0, 0, 1, 1], [], []>, transpose_lhs_hint = false} : vector<200x200xf32>, vector<200x128xf32>, vector<200x128xf32> -> vector<200x128xf32>
    %dot_general3A_226 = arith.constant dense<0.000000e+00> : vector<200x128xf32>
    %dot_general3A_227 = tpu.matmul %dot_general3A_225, %get3A_38, %dot_general3A_226 {dimension_numbers = #tpu.dot_dimension_numbers<[1], [0], [0], [1], [0, 0, 1, 1], [], []>, transpose_lhs_hint = false} : vector<200x128xf32>, vector<128x128xf32>, vector<200x128xf32> -> vector<200x128xf32>
    %slice3A_228 = vector.extract_strided_slice %mul3A_207 {offsets = [400, 0], sizes = [200, 128], strides = [1, 1]} : vector<3200x128xf32> to vector<200x128xf32>
    %get3A_229 = arith.constant 2 : index
    %get3A_230 = arith.constant 0 : index
    %get3A_231 = arith.constant 0 : index
    %get3A_232 = vector.load %arg2[%get3A_229, %get3A_230, %get3A_231] : memref<16x200x200xf32, #tpu.memory_space<vmem>>, vector<1x200x200xf32>
    %get3A_233 = vector.shape_cast %get3A_232 : vector<1x200x200xf32> to vector<200x200xf32>
    %dot_general3A_234 = arith.constant dense<0.000000e+00> : vector<200x128xf32>
    %dot_general3A_235 = tpu.matmul %get3A_233, %slice3A_228, %dot_general3A_234 {dimension_numbers = #tpu.dot_dimension_numbers<[1], [0], [0], [1], [0, 0, 1, 1], [], []>, transpose_lhs_hint = false} : vector<200x200xf32>, vector<200x128xf32>, vector<200x128xf32> -> vector<200x128xf32>
    %dot_general3A_236 = arith.constant dense<0.000000e+00> : vector<200x128xf32>
    %dot_general3A_237 = tpu.matmul %dot_general3A_235, %get3A_38, %dot_general3A_236 {dimension_numbers = #tpu.dot_dimension_numbers<[1], [0], [0], [1], [0, 0, 1, 1], [], []>, transpose_lhs_hint = false} : vector<200x128xf32>, vector<128x128xf32>, vector<200x128xf32> -> vector<200x128xf32>
    %slice3A_238 = vector.extract_strided_slice %mul3A_207 {offsets = [600, 0], sizes = [200, 128], strides = [1, 1]} : vector<3200x128xf32> to vector<200x128xf32>
    %get3A_239 = arith.constant 3 : index
    %get3A_240 = arith.constant 0 : index
    %get3A_241 = arith.constant 0 : index
    %get3A_242 = vector.load %arg2[%get3A_239, %get3A_240, %get3A_241] : memref<16x200x200xf32, #tpu.memory_space<vmem>>, vector<1x200x200xf32>
    %get3A_243 = vector.shape_cast %get3A_242 : vector<1x200x200xf32> to vector<200x200xf32>
    %dot_general3A_244 = arith.constant dense<0.000000e+00> : vector<200x128xf32>
    %dot_general3A_245 = tpu.matmul %get3A_243, %slice3A_238, %dot_general3A_244 {dimension_numbers = #tpu.dot_dimension_numbers<[1], [0], [0], [1], [0, 0, 1, 1], [], []>, transpose_lhs_hint = false} : vector<200x200xf32>, vector<200x128xf32>, vector<200x128xf32> -> vector<200x128xf32>
    %dot_general3A_246 = arith.constant dense<0.000000e+00> : vector<200x128xf32>
    %dot_general3A_247 = tpu.matmul %dot_general3A_245, %get3A_38, %dot_general3A_246 {dimension_numbers = #tpu.dot_dimension_numbers<[1], [0], [0], [1], [0, 0, 1, 1], [], []>, transpose_lhs_hint = false} : vector<200x128xf32>, vector<128x128xf32>, vector<200x128xf32> -> vector<200x128xf32>
    %slice3A_248 = vector.extract_strided_slice %mul3A_207 {offsets = [800, 0], sizes = [200, 128], strides = [1, 1]} : vector<3200x128xf32> to vector<200x128xf32>
    %get3A_249 = arith.constant 4 : index
    %get3A_250 = arith.constant 0 : index
    %get3A_251 = arith.constant 0 : index
    %get3A_252 = vector.load %arg2[%get3A_249, %get3A_250, %get3A_251] : memref<16x200x200xf32, #tpu.memory_space<vmem>>, vector<1x200x200xf32>
    %get3A_253 = vector.shape_cast %get3A_252 : vector<1x200x200xf32> to vector<200x200xf32>
    %dot_general3A_254 = arith.constant dense<0.000000e+00> : vector<200x128xf32>
    %dot_general3A_255 = tpu.matmul %get3A_253, %slice3A_248, %dot_general3A_254 {dimension_numbers = #tpu.dot_dimension_numbers<[1], [0], [0], [1], [0, 0, 1, 1], [], []>, transpose_lhs_hint = false} : vector<200x200xf32>, vector<200x128xf32>, vector<200x128xf32> -> vector<200x128xf32>
    %dot_general3A_256 = arith.constant dense<0.000000e+00> : vector<200x128xf32>
    %dot_general3A_257 = tpu.matmul %dot_general3A_255, %get3A_38, %dot_general3A_256 {dimension_numbers = #tpu.dot_dimension_numbers<[1], [0], [0], [1], [0, 0, 1, 1], [], []>, transpose_lhs_hint = false} : vector<200x128xf32>, vector<128x128xf32>, vector<200x128xf32> -> vector<200x128xf32>
    %slice3A_258 = vector.extract_strided_slice %mul3A_207 {offsets = [1000, 0], sizes = [200, 128], strides = [1, 1]} : vector<3200x128xf32> to vector<200x128xf32>
    %get3A_259 = arith.constant 5 : index
    %get3A_260 = arith.constant 0 : index
    %get3A_261 = arith.constant 0 : index
    %get3A_262 = vector.load %arg2[%get3A_259, %get3A_260, %get3A_261] : memref<16x200x200xf32, #tpu.memory_space<vmem>>, vector<1x200x200xf32>
    %get3A_263 = vector.shape_cast %get3A_262 : vector<1x200x200xf32> to vector<200x200xf32>
    %dot_general3A_264 = arith.constant dense<0.000000e+00> : vector<200x128xf32>
    %dot_general3A_265 = tpu.matmul %get3A_263, %slice3A_258, %dot_general3A_264 {dimension_numbers = #tpu.dot_dimension_numbers<[1], [0], [0], [1], [0, 0, 1, 1], [], []>, transpose_lhs_hint = false} : vector<200x200xf32>, vector<200x128xf32>, vector<200x128xf32> -> vector<200x128xf32>
    %dot_general3A_266 = arith.constant dense<0.000000e+00> : vector<200x128xf32>
    %dot_general3A_267 = tpu.matmul %dot_general3A_265, %get3A_38, %dot_general3A_266 {dimension_numbers = #tpu.dot_dimension_numbers<[1], [0], [0], [1], [0, 0, 1, 1], [], []>, transpose_lhs_hint = false} : vector<200x128xf32>, vector<128x128xf32>, vector<200x128xf32> -> vector<200x128xf32>
    %slice3A_268 = vector.extract_strided_slice %mul3A_207 {offsets = [1200, 0], sizes = [200, 128], strides = [1, 1]} : vector<3200x128xf32> to vector<200x128xf32>
    %get3A_269 = arith.constant 6 : index
    %get3A_270 = arith.constant 0 : index
    %get3A_271 = arith.constant 0 : index
    %get3A_272 = vector.load %arg2[%get3A_269, %get3A_270, %get3A_271] : memref<16x200x200xf32, #tpu.memory_space<vmem>>, vector<1x200x200xf32>
    %get3A_273 = vector.shape_cast %get3A_272 : vector<1x200x200xf32> to vector<200x200xf32>
    %dot_general3A_274 = arith.constant dense<0.000000e+00> : vector<200x128xf32>
    %dot_general3A_275 = tpu.matmul %get3A_273, %slice3A_268, %dot_general3A_274 {dimension_numbers = #tpu.dot_dimension_numbers<[1], [0], [0], [1], [0, 0, 1, 1], [], []>, transpose_lhs_hint = false} : vector<200x200xf32>, vector<200x128xf32>, vector<200x128xf32> -> vector<200x128xf32>
    %dot_general3A_276 = arith.constant dense<0.000000e+00> : vector<200x128xf32>
    %dot_general3A_277 = tpu.matmul %dot_general3A_275, %get3A_38, %dot_general3A_276 {dimension_numbers = #tpu.dot_dimension_numbers<[1], [0], [0], [1], [0, 0, 1, 1], [], []>, transpose_lhs_hint = false} : vector<200x128xf32>, vector<128x128xf32>, vector<200x128xf32> -> vector<200x128xf32>
    %slice3A_278 = vector.extract_strided_slice %mul3A_207 {offsets = [1400, 0], sizes = [200, 128], strides = [1, 1]} : vector<3200x128xf32> to vector<200x128xf32>
    %get3A_279 = arith.constant 7 : index
    %get3A_280 = arith.constant 0 : index
    %get3A_281 = arith.constant 0 : index
    %get3A_282 = vector.load %arg2[%get3A_279, %get3A_280, %get3A_281] : memref<16x200x200xf32, #tpu.memory_space<vmem>>, vector<1x200x200xf32>
    %get3A_283 = vector.shape_cast %get3A_282 : vector<1x200x200xf32> to vector<200x200xf32>
    %dot_general3A_284 = arith.constant dense<0.000000e+00> : vector<200x128xf32>
    %dot_general3A_285 = tpu.matmul %get3A_283, %slice3A_278, %dot_general3A_284 {dimension_numbers = #tpu.dot_dimension_numbers<[1], [0], [0], [1], [0, 0, 1, 1], [], []>, transpose_lhs_hint = false} : vector<200x200xf32>, vector<200x128xf32>, vector<200x128xf32> -> vector<200x128xf32>
    %dot_general3A_286 = arith.constant dense<0.000000e+00> : vector<200x128xf32>
    %dot_general3A_287 = tpu.matmul %dot_general3A_285, %get3A_38, %dot_general3A_286 {dimension_numbers = #tpu.dot_dimension_numbers<[1], [0], [0], [1], [0, 0, 1, 1], [], []>, transpose_lhs_hint = false} : vector<200x128xf32>, vector<128x128xf32>, vector<200x128xf32> -> vector<200x128xf32>
    %slice3A_288 = vector.extract_strided_slice %mul3A_207 {offsets = [1600, 0], sizes = [200, 128], strides = [1, 1]} : vector<3200x128xf32> to vector<200x128xf32>
    %get3A_289 = arith.constant 8 : index
    %get3A_290 = arith.constant 0 : index
    %get3A_291 = arith.constant 0 : index
    %get3A_292 = vector.load %arg2[%get3A_289, %get3A_290, %get3A_291] : memref<16x200x200xf32, #tpu.memory_space<vmem>>, vector<1x200x200xf32>
    %get3A_293 = vector.shape_cast %get3A_292 : vector<1x200x200xf32> to vector<200x200xf32>
    %dot_general3A_294 = arith.constant dense<0.000000e+00> : vector<200x128xf32>
    %dot_general3A_295 = tpu.matmul %get3A_293, %slice3A_288, %dot_general3A_294 {dimension_numbers = #tpu.dot_dimension_numbers<[1], [0], [0], [1], [0, 0, 1, 1], [], []>, transpose_lhs_hint = false} : vector<200x200xf32>, vector<200x128xf32>, vector<200x128xf32> -> vector<200x128xf32>
    %dot_general3A_296 = arith.constant dense<0.000000e+00> : vector<200x128xf32>
    %dot_general3A_297 = tpu.matmul %dot_general3A_295, %get3A_38, %dot_general3A_296 {dimension_numbers = #tpu.dot_dimension_numbers<[1], [0], [0], [1], [0, 0, 1, 1], [], []>, transpose_lhs_hint = false} : vector<200x128xf32>, vector<128x128xf32>, vector<200x128xf32> -> vector<200x128xf32>
    %slice3A_298 = vector.extract_strided_slice %mul3A_207 {offsets = [1800, 0], sizes = [200, 128], strides = [1, 1]} : vector<3200x128xf32> to vector<200x128xf32>
    %get3A_299 = arith.constant 9 : index
    %get3A_300 = arith.constant 0 : index
    %get3A_301 = arith.constant 0 : index
    %get3A_302 = vector.load %arg2[%get3A_299, %get3A_300, %get3A_301] : memref<16x200x200xf32, #tpu.memory_space<vmem>>, vector<1x200x200xf32>
    %get3A_303 = vector.shape_cast %get3A_302 : vector<1x200x200xf32> to vector<200x200xf32>
    %dot_general3A_304 = arith.constant dense<0.000000e+00> : vector<200x128xf32>
    %dot_general3A_305 = tpu.matmul %get3A_303, %slice3A_298, %dot_general3A_304 {dimension_numbers = #tpu.dot_dimension_numbers<[1], [0], [0], [1], [0, 0, 1, 1], [], []>, transpose_lhs_hint = false} : vector<200x200xf32>, vector<200x128xf32>, vector<200x128xf32> -> vector<200x128xf32>
    %dot_general3A_306 = arith.constant dense<0.000000e+00> : vector<200x128xf32>
    %dot_general3A_307 = tpu.matmul %dot_general3A_305, %get3A_38, %dot_general3A_306 {dimension_numbers = #tpu.dot_dimension_numbers<[1], [0], [0], [1], [0, 0, 1, 1], [], []>, transpose_lhs_hint = false} : vector<200x128xf32>, vector<128x128xf32>, vector<200x128xf32> -> vector<200x128xf32>
    %slice3A_308 = vector.extract_strided_slice %mul3A_207 {offsets = [2000, 0], sizes = [200, 128], strides = [1, 1]} : vector<3200x128xf32> to vector<200x128xf32>
    %get3A_309 = arith.constant 10 : index
    %get3A_310 = arith.constant 0 : index
    %get3A_311 = arith.constant 0 : index
    %get3A_312 = vector.load %arg2[%get3A_309, %get3A_310, %get3A_311] : memref<16x200x200xf32, #tpu.memory_space<vmem>>, vector<1x200x200xf32>
    %get3A_313 = vector.shape_cast %get3A_312 : vector<1x200x200xf32> to vector<200x200xf32>
    %dot_general3A_314 = arith.constant dense<0.000000e+00> : vector<200x128xf32>
    %dot_general3A_315 = tpu.matmul %get3A_313, %slice3A_308, %dot_general3A_314 {dimension_numbers = #tpu.dot_dimension_numbers<[1], [0], [0], [1], [0, 0, 1, 1], [], []>, transpose_lhs_hint = false} : vector<200x200xf32>, vector<200x128xf32>, vector<200x128xf32> -> vector<200x128xf32>
    %dot_general3A_316 = arith.constant dense<0.000000e+00> : vector<200x128xf32>
    %dot_general3A_317 = tpu.matmul %dot_general3A_315, %get3A_38, %dot_general3A_316 {dimension_numbers = #tpu.dot_dimension_numbers<[1], [0], [0], [1], [0, 0, 1, 1], [], []>, transpose_lhs_hint = false} : vector<200x128xf32>, vector<128x128xf32>, vector<200x128xf32> -> vector<200x128xf32>
    %slice3A_318 = vector.extract_strided_slice %mul3A_207 {offsets = [2200, 0], sizes = [200, 128], strides = [1, 1]} : vector<3200x128xf32> to vector<200x128xf32>
    %get3A_319 = arith.constant 11 : index
    %get3A_320 = arith.constant 0 : index
    %get3A_321 = arith.constant 0 : index
    %get3A_322 = vector.load %arg2[%get3A_319, %get3A_320, %get3A_321] : memref<16x200x200xf32, #tpu.memory_space<vmem>>, vector<1x200x200xf32>
    %get3A_323 = vector.shape_cast %get3A_322 : vector<1x200x200xf32> to vector<200x200xf32>
    %dot_general3A_324 = arith.constant dense<0.000000e+00> : vector<200x128xf32>
    %dot_general3A_325 = tpu.matmul %get3A_323, %slice3A_318, %dot_general3A_324 {dimension_numbers = #tpu.dot_dimension_numbers<[1], [0], [0], [1], [0, 0, 1, 1], [], []>, transpose_lhs_hint = false} : vector<200x200xf32>, vector<200x128xf32>, vector<200x128xf32> -> vector<200x128xf32>
    %dot_general3A_326 = arith.constant dense<0.000000e+00> : vector<200x128xf32>
    %dot_general3A_327 = tpu.matmul %dot_general3A_325, %get3A_38, %dot_general3A_326 {dimension_numbers = #tpu.dot_dimension_numbers<[1], [0], [0], [1], [0, 0, 1, 1], [], []>, transpose_lhs_hint = false} : vector<200x128xf32>, vector<128x128xf32>, vector<200x128xf32> -> vector<200x128xf32>
    %slice3A_328 = vector.extract_strided_slice %mul3A_207 {offsets = [2400, 0], sizes = [200, 128], strides = [1, 1]} : vector<3200x128xf32> to vector<200x128xf32>
    %get3A_329 = arith.constant 12 : index
    %get3A_330 = arith.constant 0 : index
    %get3A_331 = arith.constant 0 : index
    %get3A_332 = vector.load %arg2[%get3A_329, %get3A_330, %get3A_331] : memref<16x200x200xf32, #tpu.memory_space<vmem>>, vector<1x200x200xf32>
    %get3A_333 = vector.shape_cast %get3A_332 : vector<1x200x200xf32> to vector<200x200xf32>
    %dot_general3A_334 = arith.constant dense<0.000000e+00> : vector<200x128xf32>
    %dot_general3A_335 = tpu.matmul %get3A_333, %slice3A_328, %dot_general3A_334 {dimension_numbers = #tpu.dot_dimension_numbers<[1], [0], [0], [1], [0, 0, 1, 1], [], []>, transpose_lhs_hint = false} : vector<200x200xf32>, vector<200x128xf32>, vector<200x128xf32> -> vector<200x128xf32>
    %dot_general3A_336 = arith.constant dense<0.000000e+00> : vector<200x128xf32>
    %dot_general3A_337 = tpu.matmul %dot_general3A_335, %get3A_38, %dot_general3A_336 {dimension_numbers = #tpu.dot_dimension_numbers<[1], [0], [0], [1], [0, 0, 1, 1], [], []>, transpose_lhs_hint = false} : vector<200x128xf32>, vector<128x128xf32>, vector<200x128xf32> -> vector<200x128xf32>
    %slice3A_338 = vector.extract_strided_slice %mul3A_207 {offsets = [2600, 0], sizes = [200, 128], strides = [1, 1]} : vector<3200x128xf32> to vector<200x128xf32>
    %get3A_339 = arith.constant 13 : index
    %get3A_340 = arith.constant 0 : index
    %get3A_341 = arith.constant 0 : index
    %get3A_342 = vector.load %arg2[%get3A_339, %get3A_340, %get3A_341] : memref<16x200x200xf32, #tpu.memory_space<vmem>>, vector<1x200x200xf32>
    %get3A_343 = vector.shape_cast %get3A_342 : vector<1x200x200xf32> to vector<200x200xf32>
    %dot_general3A_344 = arith.constant dense<0.000000e+00> : vector<200x128xf32>
    %dot_general3A_345 = tpu.matmul %get3A_343, %slice3A_338, %dot_general3A_344 {dimension_numbers = #tpu.dot_dimension_numbers<[1], [0], [0], [1], [0, 0, 1, 1], [], []>, transpose_lhs_hint = false} : vector<200x200xf32>, vector<200x128xf32>, vector<200x128xf32> -> vector<200x128xf32>
    %dot_general3A_346 = arith.constant dense<0.000000e+00> : vector<200x128xf32>
    %dot_general3A_347 = tpu.matmul %dot_general3A_345, %get3A_38, %dot_general3A_346 {dimension_numbers = #tpu.dot_dimension_numbers<[1], [0], [0], [1], [0, 0, 1, 1], [], []>, transpose_lhs_hint = false} : vector<200x128xf32>, vector<128x128xf32>, vector<200x128xf32> -> vector<200x128xf32>
    %slice3A_348 = vector.extract_strided_slice %mul3A_207 {offsets = [2800, 0], sizes = [200, 128], strides = [1, 1]} : vector<3200x128xf32> to vector<200x128xf32>
    %get3A_349 = arith.constant 14 : index
    %get3A_350 = arith.constant 0 : index
    %get3A_351 = arith.constant 0 : index
    %get3A_352 = vector.load %arg2[%get3A_349, %get3A_350, %get3A_351] : memref<16x200x200xf32, #tpu.memory_space<vmem>>, vector<1x200x200xf32>
    %get3A_353 = vector.shape_cast %get3A_352 : vector<1x200x200xf32> to vector<200x200xf32>
    %dot_general3A_354 = arith.constant dense<0.000000e+00> : vector<200x128xf32>
    %dot_general3A_355 = tpu.matmul %get3A_353, %slice3A_348, %dot_general3A_354 {dimension_numbers = #tpu.dot_dimension_numbers<[1], [0], [0], [1], [0, 0, 1, 1], [], []>, transpose_lhs_hint = false} : vector<200x200xf32>, vector<200x128xf32>, vector<200x128xf32> -> vector<200x128xf32>
    %dot_general3A_356 = arith.constant dense<0.000000e+00> : vector<200x128xf32>
    %dot_general3A_357 = tpu.matmul %dot_general3A_355, %get3A_38, %dot_general3A_356 {dimension_numbers = #tpu.dot_dimension_numbers<[1], [0], [0], [1], [0, 0, 1, 1], [], []>, transpose_lhs_hint = false} : vector<200x128xf32>, vector<128x128xf32>, vector<200x128xf32> -> vector<200x128xf32>
    %slice3A_358 = vector.extract_strided_slice %mul3A_207 {offsets = [3000, 0], sizes = [200, 128], strides = [1, 1]} : vector<3200x128xf32> to vector<200x128xf32>
    %get3A_359 = arith.constant 15 : index
    %get3A_360 = arith.constant 0 : index
    %get3A_361 = arith.constant 0 : index
    %get3A_362 = vector.load %arg2[%get3A_359, %get3A_360, %get3A_361] : memref<16x200x200xf32, #tpu.memory_space<vmem>>, vector<1x200x200xf32>
    %get3A_363 = vector.shape_cast %get3A_362 : vector<1x200x200xf32> to vector<200x200xf32>
    %dot_general3A_364 = arith.constant dense<0.000000e+00> : vector<200x128xf32>
    %dot_general3A_365 = tpu.matmul %get3A_363, %slice3A_358, %dot_general3A_364 {dimension_numbers = #tpu.dot_dimension_numbers<[1], [0], [0], [1], [0, 0, 1, 1], [], []>, transpose_lhs_hint = false} : vector<200x200xf32>, vector<200x128xf32>, vector<200x128xf32> -> vector<200x128xf32>
    %dot_general3A_366 = arith.constant dense<0.000000e+00> : vector<200x128xf32>
    %dot_general3A_367 = tpu.matmul %dot_general3A_365, %get3A_38, %dot_general3A_366 {dimension_numbers = #tpu.dot_dimension_numbers<[1], [0], [0], [1], [0, 0, 1, 1], [], []>, transpose_lhs_hint = false} : vector<200x128xf32>, vector<128x128xf32>, vector<200x128xf32> -> vector<200x128xf32>
    %concatenate3A_368 = tpu.concatenate %dot_general3A_217, %dot_general3A_227, %dot_general3A_237, %dot_general3A_247, %dot_general3A_257, %dot_general3A_267, %dot_general3A_277, %dot_general3A_287, %dot_general3A_297, %dot_general3A_307, %dot_general3A_317, %dot_general3A_327, %dot_general3A_337, %dot_general3A_347, %dot_general3A_357, %dot_general3A_367 in 0 : vector<200x128xf32>, vector<200x128xf32>, vector<200x128xf32>, vector<200x128xf32>, vector<200x128xf32>, vector<200x128xf32>, vector<200x128xf32>, vector<200x128xf32>, vector<200x128xf32>, vector<200x128xf32>, vector<200x128xf32>, vector<200x128xf32>, vector<200x128xf32>, vector<200x128xf32>, vector<200x128xf32>, vector<200x128xf32> -> vector<3200x128xf32>
    %add3A_369 = vector.broadcast %get3A_41 : vector<1x128xf32> to vector<3200x128xf32>
    %add3A_370 = arith.addf %concatenate3A_368, %add3A_369 : vector<3200x128xf32>
    %max3A_371 = arith.constant 0.000000e+00 : f32
    %max3A_372 = vector.broadcast %max3A_371 : f32 to vector<3200x128xf32>
    %max3A_373 = arith.maximumf %add3A_370, %max3A_372 : vector<3200x128xf32>
    %mul3A_374 = vector.broadcast %convert_element_type3A : vector<3200x1xf32> to vector<3200x128xf32>
    %mul3A_375 = arith.mulf %max3A_373, %mul3A_374 : vector<3200x128xf32>
    %reshape3A_376 = vector.shape_cast %mul3A_375 : vector<3200x128xf32> to vector<16x200x128xf32>
    %swap3A = arith.constant 0 : index
    %swap3A_377 = arith.constant 0 : index
    %swap3A_378 = arith.constant 0 : index
    %swap3A_379 = vector.load %arg10[%swap3A, %swap3A_377, %swap3A_378] : memref<16x200x128xf32, #tpu.memory_space<vmem>>, vector<16x200x128xf32>
    tpu.vector_store %arg10[%swap3A, %swap3A_377, %swap3A_378], %reshape3A_376 {strides = array<i32>} : memref<16x200x128xf32, #tpu.memory_space<vmem>>, vector<16x200x128xf32>,
    return
  }
  func.func @transform_0(%arg0: i32) -> (i32, i32, i32) {
    %c0_i32 = arith.constant 0 : i32
    %c0_i32_0 = arith.constant 0 : i32
    %c0_i32_1 = arith.constant 0 : i32
    return %arg0, %c0_i32, %c0_i32_0 : i32, i32, i32
  }
  func.func @transform_1(%arg0: i32) -> (i32, i32, i32) {
    %c0_i32 = arith.constant 0 : i32
    %c0_i32_0 = arith.constant 0 : i32
    %c0_i32_1 = arith.constant 0 : i32
    return %arg0, %c0_i32, %c0_i32_0 : i32, i32, i32
  }
  func.func @transform_2(%arg0: i32) -> (i32, i32) {
    %c0_i32 = arith.constant 0 : i32
    %c0_i32_0 = arith.constant 0 : i32
    return %arg0, %c0_i32 : i32, i32
  }
  func.func @transform_3(%arg0: i32) -> (i32, i32, i32) {
    %c0_i32 = arith.constant 0 : i32
    %c0_i32_0 = arith.constant 0 : i32
    %c0_i32_1 = arith.constant 0 : i32
    return %arg0, %c0_i32, %c0_i32_0 : i32, i32, i32
  }
  func.func @transform_4(%arg0: i32) -> (i32, i32) {
    %c0_i32 = arith.constant 0 : i32
    %c0_i32_0 = arith.constant 0 : i32
    %c0_i32_1 = arith.constant 0 : i32
    return %c0_i32, %c0_i32_0 : i32, i32
  }
  func.func @transform_5(%arg0: i32) -> (i32, i32) {
    %c0_i32 = arith.constant 0 : i32
    %c0_i32_0 = arith.constant 0 : i32
    %c0_i32_1 = arith.constant 0 : i32
    return %c0_i32, %c0_i32_0 : i32, i32
  }
  func.func @transform_6(%arg0: i32) -> (i32, i32) {
    %c0_i32 = arith.constant 0 : i32
    %c0_i32_0 = arith.constant 0 : i32
    %c0_i32_1 = arith.constant 0 : i32
    return %c0_i32, %c0_i32_0 : i32, i32
  }
  func.func @transform_7(%arg0: i32) -> (i32, i32) {
    %c0_i32 = arith.constant 0 : i32
    %c0_i32_0 = arith.constant 0 : i32
    %c0_i32_1 = arith.constant 0 : i32
    return %c0_i32, %c0_i32_0 : i32, i32
  }
  func.func @transform_8(%arg0: i32) -> (i32, i32) {
    %c0_i32 = arith.constant 0 : i32
    %c0_i32_0 = arith.constant 0 : i32
    %c0_i32_1 = arith.constant 0 : i32
    return %c0_i32, %c0_i32_0 : i32, i32
  }
  func.func @transform_9(%arg0: i32) -> (i32, i32, i32) {
    %c0_i32 = arith.constant 0 : i32
    %c0_i32_0 = arith.constant 0 : i32
    %c0_i32_1 = arith.constant 0 : i32
    return %arg0, %c0_i32, %c0_i32_0 : i32, i32, i32
  }
}

</mosaic_0001>

<sc_bundles>
// kernel: kernel.4.cloned.1.call-start
scs
__scs_entry_jumppad:
0x0: {  	(pc) =	sbr.rel $0x88, $3  }
0x1: {  	(tag) =	ssettag $0x0;
	lr =	simm.s32 $0x1  }
0x2: {  	[smem:$0x3F97] =	sst lr;
	_ =	strace $0xD0000000  }
0x3: {  	_ = 	snop  }
0x4: {  	_ = 	snop  }
0x5: {  	_ = 	snop  }
0x6: {  	_ = 	snop  }
0x7: {  	_ = 	snop  }
__scs_overlays_trampoline_lowered:
0x8: {  	[smem:$0x3FA6] =	sst s0  }
0x9: {  	[smem:$0x3FA7] =	sst s1  }
0xa: {  	[smem:$0x3FA8] =	sst s2  }
0xb: {  	[smem:$0x3FA9] =	sst s3  }
0xc: {  	[smem:$0x3FAA] =	sst s4  }
0xd: {  	[smem:$0x3FAB] =	sst s5  }
0xe: {  	[smem:$0x3FAC] =	sst s6  }
0xf: {  	[smem:$0x3FAD] =	sst s7  }
0x10: {  	[smem:$0x3FAE] =	sst s8  }
0x11: {  	[smem:$0x3FAF] =	sst s9;
	s0 =	simm.s32 @!p0 $0x0  }
0x12: {  	s1 =	sld [smem:$0x3F95];
	s0 =	simm.s32 @p0 $0x1  }
0x13: {  	[smem:$0x3FB0] =	sst s0;
	s0 =	simm.s32 @!p1 $0x0  }
0x14: {  	s2 =	sld [smem:$0x3F94];
	s0 =	simm.s32 @p1 $0x1  }
0x15: {  	[smem:$0x3FB1] =	sst s0;
	s0 =	simm.s32 @!p2 $0x0  }
0x16: {  	s3 =	sld [smem:$0x3FDB];
	s0 =	simm.s32 @p2 $0x1  }
0x17: {  	s4 =	simm.s32 $0x1BF5;
	[smem:$0x3FB3] =	sst s0  }
0x18: {  	s0 =	sld [smem:$0x3F96];
	_ =	swait.ge [sflag:s4], $0x0  }
0x19: {  	s7 =	sld [smem:$0x3F97]  }
0x1a: {  	s8 =	sadd.s32 $0xFFFFE003, lr  }
0x1b: {  	s9 =	sadd.s32 $0xFFFFFEF7, lr;
	s5 =	simm.s32 $0xFFFFFFFF;
	p2 =	slt.u32 s8, $0xFFFFF086  }
0x1c: {  	p1 =	slt.u32 s9, $0xF7A;
	s5 =	simm.s32 @!p2 $0x0  }
0x1d: {  	s5 =	simm.s32 @p1 $0x1;
	p0 =	seq.s32 s7, s2  }
0x1e: {  	s7 =	smul.u32 @!p0 $0xF7A, s2;
	p2 =	seq.s32 @!p0 s5, $0x0  }
0x1f: {  	s9 =	smul.u32 $0xF7A, s1;
	s8 =	simm.s32 @!p0 $0x1BF5;
	p2 =	por !p2, p0  }
0x20: {  	[sflag:s8] =	ssyncset.s32 @!p0 $0xFFFFF086;
	s6 =	sadd.s32 @!p0 s3, s7;
	s7 =	simm.s32 @!p0 $0x108  }
0x21: {  	s3 =	sadd.s32 s3, s9;
	s6 =	sadd.s32 @!p0 $0x88, s6;
	s7 =	simm.s32 @p2 $0x1082  }
0x22: {  	[simem:s7], [sflag:s8] =	dma.local @!p0 [hbm:s6], $0xF7A  }
0x23: {  	s9 =	sor.u32 $0xD0000000, s2;
	s6 =	simm.s32 $0x108;
	_ =	swait.ge @!p0 [sflag:s8], $0x0  }
0x24: {  	s3 =	sadd.s32 $0x88, s3;
	s6 =	simm.s32 @!p1 $0x1082;
	[sflag:s4] =	ssyncset.s32 $0xFFFFF086  }
0x25: {  	[simem:s6], [sflag:s4] =	dma.local [hbm:s3], $0xF7A  }
0x26: {  	[smem:$0x3F97] =	sst s1;
	(tag) =	ssettag s2;
	_ =	strace s9  }
0x27: {  	s1 =	sld [smem:$0x3FA7]  }
0x28: {  	s2 =	sld [smem:$0x3FA8]  }
0x29: {  	s4 =	sld [smem:$0x3FAA]  }
0x2a: {  	p0 =	seq.s32 s5, $0x0;
	s5 =	sld [smem:$0x3FAB]  }
0x2b: {  	s6 =	sld [smem:$0x3FAC]  }
0x2c: {  	s7 =	sld [smem:$0x3FAD]  }
0x2d: {  	s3 =	simm.s32 $0x108;
	s8 =	sld [smem:$0x3FAE]  }
0x2e: {  	s3 =	simm.s32 @!p0 $0x1082;
	s9 =	sld [smem:$0x3FAF]  }
0x2f: {  	lr =	sadd.s32 s0, s3;
	s0 =	sld [smem:$0x3FA6]  }
0x30: {  	s3 =	sld [smem:$0x3FA9]  }
0x31: {  	[smem:$0x3FB2] =	sst s10  }
0x32: {  	s10 =	sld [smem:$0x3FB0];
	_ =	sdelay $0x3  }
0x33: {  	p0 =	seq.s32 s10, $0x1;
	s10 =	sld [smem:$0x3FB2];
	_ =	sdelay $0x3  }
0x34: {  	[smem:$0x3FB2] =	sst s10  }
0x35: {  	s10 =	sld [smem:$0x3FB1];
	_ =	sdelay $0x3  }
0x36: {  	p1 =	seq.s32 s10, $0x1;
	s10 =	sld [smem:$0x3FB2];
	_ =	sdelay $0x3  }
0x37: {  	[smem:$0x3FB2] =	sst s10  }
0x38: {  	s10 =	sld [smem:$0x3FB3]  }
0x39: {  	_ = 	snop;
	(pc) =	sbr.ind lr, $3  }
0x3a: {  	_ = 	snop  }
0x3b: {  	_ = 	snop  }
0x3c: {  	p2 =	seq.s32 s10, $0x1;
	s10 =	sld [smem:$0x3FB2]  }
0x3d: {  	_ =	shalt  }
0x3e: {  	_ =	shalt  }
0x3f: {  	_ =	shalt  }
0x40: {  	_ =	shalt  }
0x41: {  	_ =	shalt  }
0x42: {  	_ =	shalt  }
0x43: {  	_ =	shalt  }
0x44: {  	_ =	shalt  }
0x45: {  	_ =	shalt  }
0x46: {  	_ =	shalt  }
0x47: {  	_ =	shalt  }
0x48: {  	_ =	shalt  }
0x49: {  	_ =	shalt  }
0x4a: {  	_ =	shalt  }
0x4b: {  	_ =	shalt  }
0x4c: {  	_ =	shalt  }
0x4d: {  	_ =	shalt  }
0x4e: {  	_ =	shalt  }
0x4f: {  	_ =	shalt  }
0x50: {  	_ =	shalt  }
0x51: {  	_ =	shalt  }
0x52: {  	_ =	shalt  }
0x53: {  	_ =	shalt  }
0x54: {  	_ =	shalt  }
0x55: {  	_ =	shalt  }
0x56: {  	_ =	shalt  }
0x57: {  	_ =	shalt  }
0x58: {  	_ =	shalt  }
0x59: {  	_ =	shalt  }
0x5a: {  	_ =	shalt  }
0x5b: {  	_ =	shalt  }
0x5c: {  	_ =	shalt  }
0x5d: {  	_ =	shalt  }
0x5e: {  	_ =	shalt  }
0x5f: {  	_ =	shalt  }
0x60: {  	_ =	shalt  }
0x61: {  	_ =	shalt  }
0x62: {  	_ =	shalt  }
0x63: {  	_ =	shalt  }
0x64: {  	_ =	shalt  }
0x65: {  	_ =	shalt  }
0x66: {  	_ =	shalt  }
0x67: {  	_ =	shalt  }
0x68: {  	_ =	shalt  }
0x69: {  	_ =	shalt  }
0x6a: {  	_ =	shalt  }
0x6b: {  	_ =	shalt  }
0x6c: {  	_ =	shalt  }
0x6d: {  	_ =	shalt  }
0x6e: {  	_ =	shalt  }
0x6f: {  	_ =	shalt  }
0x70: {  	_ =	shalt  }
0x71: {  	_ =	shalt  }
0x72: {  	_ =	shalt  }
0x73: {  	_ =	shalt  }
0x74: {  	_ =	shalt  }
0x75: {  	_ =	shalt  }
0x76: {  	_ =	shalt  }
0x77: {  	_ =	shalt  }
0x78: {  	_ =	shalt  }
0x79: {  	_ =	shalt  }
0x7a: {  	_ =	shalt  }
0x7b: {  	_ =	shalt  }
0x7c: {  	_ =	shalt  }
0x7d: {  	_ =	shalt  }
0x7e: {  	_ =	shalt  }
0x7f: {  	_ =	shalt  }
0x80: {  	_ =	shalt  }
0x81: {  	_ =	shalt  }
0x82: {  	_ =	shalt  }
0x83: {  	_ =	shalt  }
0x84: {  	_ =	shalt  }
0x85: {  	_ =	shalt  }
0x86: {  	_ =	shalt  }
0x87: {  	_ =	shalt  }
.Lfunc_end0:
.L_simem_size_0:
called_computation_lowered:
.L_overlay_start_0:
0x88: {  	s2 =	sld [smem:$0x3FD9]  }
0x89: {  	s3 =	sld [smem:$0x3FFE];
	_ =	sdelay $0x1  }
0x8a: {  	s1 =	srdreg.scid  }
0x8b: {  	s0 =	sand.u32 $0x1, s1  }
0x8c: {  	s17 =	sshll.u32 s0, $0xA;
	s2 =	sadd.s32 s3, s2  }
0x8d: {  	s2 =	sadd.s32 s2, s17  }
0x8e: {  	[smem:$0x3FBE] =	sst s2  }
0x8f: {  	_ = 	snop  }
0x90: {  	s2 =	sld [smem:$0x3FC5]  }
0x91: {  	s18 =	sld [smem:$0x3FD0];
	(tm) =	ssettm $0x1  }
0x92: {  	s4 =	sld [smem:$0x3FFB];
	_ =	sdelay $0x3  }
0x93: {  	_ =	strace s4  }
0x94: {  	s4 =	sld [smem:$0x3FFC];
	_ =	sdelay $0x3  }
0x95: {  	_ =	strace s4  }
0x96: {  	s4 =	sld [smem:$0x3FFD];
	_ =	sdelay $0x3  }
0x97: {  	_ =	strace s4  }
0x98: {  	_ =	strace $0x8FFFFFFF  }
0x99: {  	s19 =	sld [smem:$0x3FDB];
	_ =	sdelay $0x1  }
0x9a: {  	s5 =	simm.s32 $_scs_section_size  }
0x9b: {  	s6 =	simm.s32 $_size__tile_overlayer_lowered;
	s7 =	simm.s32 $_tile_overlayer_lowered  }
0x9c: {  	s22 =	simm.s32 $0x1BFF;
	s21 =	sshll.u32 s7, $0x1;
	s4 =	sadd.s32 s5, s19  }
0x9d: {  	s8 =	simm.s32 $0x0;
	s20 =	sshll.u32 s6, $0x1;
	s6 =	sadd.s32 s21, s4  }
0x9e: {  	[timem:s8], [sflag:s22] =	dma.local [hbm:s6], s20  }
0x9f: {  	_ =	swait.ge [sflag:s22], s20  }
0xa0: {  	s5 =	ssub.s32 $0x0, s20;
	[sflag:s22] =	ssyncset.done $0x0  }
0xa1: {  	[sflag:s22] =	ssyncadd.s32 s5;
	_ =	sdelay $0x1  }
0xa2: {  	s23 =	simm.s32 $0x1B8B  }
0xa3: {  	_ =	swait.ge [sflag:s23], $0x1  }
0xa4: {  	[sflag:s23] =	ssyncset.done $0x0  }
0xa5: {  	s25 =	simm.s32 $0x1B8E;
	s24 =	sld [smem:$0x3FFE];
	[sflag:s23] =	ssyncadd.s32 $0xFFFFFFFF  }
0xa6: {  	s26 =	simm.s32 $execute0_lowered;
	[smem:$0x3FD2] =	sst s25  }
0xa7: {  	s6 =	sshll.u32 s26, $0x1;
	_ =	strace $0x80000046;
	[dreg:$0x1] =	wrdreg $0xFFFFFFFF  }
0xa8: {  	s28 =	simm.s32 $_size_execute0_lowered;
	s4 =	sadd.s32 s4, s6;
	[dreg:$0x0] =	wrdreg $0x0  }
0xa9: {  	s6 =	sshll.u32 s28, $0x1;
	[dreg:$0x2] =	wrdreg s4  }
0xaa: {  	[dreg:$0x3] =	wrdreg s6  }
0xab: {  	[dreg:$0x4] =	wrdreg $0xC0  }
0xac: {  	_ =	task [dreg:s8], $0x5FFFF  }
0xad: {  	[dreg:$0x1] =	wrdreg $0xFFFFFFFF  }
0xae: {  	[dreg:$0x0] =	wrdreg $0x60  }
0xaf: {  	[dreg:$0x2] =	wrdreg s18  }
0xb0: {  	[dreg:$0x3] =	wrdreg s2  }
0xb1: {  	[dreg:$0x4] =	wrdreg s24  }
0xb2: {  	[dreg:$0x5] =	wrdreg $0x9  }
0xb3: {  	_ =	task.clear_ibuf [dreg:s8], $0x6FFFF;
	_ =	strace $0x90000046  }
0xb4: {  	s29 =	simm.s32 $0x9;
	_ =	strace $0x80000048  }
0xb5: {  	_ =	swait.ge [sflag:s29], $0x1  }
0xb6: {  	[sflag:s29] =	ssyncadd.s32 $0xFFFFFFFF  }
0xb7: {  	_ =	strace $0x90000048  }
0xb8: {  	_ =	sfence  }
0xb9: {  	s30 =	sld [smem:$0x0];
	_ =	sdelay $0x2  }
0xba: {  	s31 =	sshll.u32 s1, $0xD;
	s1 =	sshrl.u32 s1, $0x2  }
0xbb: {  	s3 =	sand.u32 $0x4000, s31;
	s1 =	sadd.s32 s1, s30  }
0xbc: {  	s0 =	sor.u32 s3, s0;
	s1 =	sshll.u32 s1, $0x11  }
0xbd: {  	s0 =	sor.u32 s1, s0  }
0xbe: {  	s0 =	sadd.s32 $0x8F2B, s0  }
0xbf: {  	[sflag:s0] =	ssyncadd.remote.s32 $0x1  }
0xc0: {  	_ =	sfence.sel $0xFFFF  }
0xc1: {  	[dreg:$0x0] =	wrdreg $0xFFFFFFFF;
	(pc) =	sbr.abs _section_cstart, $3  }
0xc2: {  	[dreg:$0x1] =	wrdreg $0xFFFFFFFF  }
0xc3: {  	_ =	task.clear_ibuf [dreg:s8], $0x2FFFF;
	_ =	strace $0x9FFFFFFF  }
0xc4: {  	(tm) =	ssettm $0x7FFFFFFF  }
0xc5: {  	_ =	shalt  }
tec
execute0_lowered:
.L_overlay_start_1:
0x0: {  	(tag) =	ssettag $0x1  }
0x1: {  	s1 =	rddreg [dreg:$0x0]  }
0x2: {  	s3 =	rddreg [dreg:$0x1];
	s2 =	srdreg.scid  }
0x3: {  	s0 =	stileid.u32;
	s5 =	rddreg [dreg:$0x2];
	s4 =	simm.s32 $0x0  }
0x4: {  	s16 =	simm.s32 $0x100;
	s17 =	simm.s32 $0x3;
	s18 =	simm.s32 $0x4100  }
0x5: {  	s19 =	simm.s32 $0x1;
	s20 =	simm.s32 $0x0;
	s10 =	smul.u32 $0x3200, s0  }
0x6: {  	s7 =	sand.u32 $0x1, s2;
	s2 =	rddreg [dreg:$0x3];
	s13 =	smul.u32 $0x190000, s0  }
0x7: {  	s6 =	sshll.u32 s0, $0x1;
	[smem:$0x7FF] =	sst s4;
	s11 =	smul.u32 $0x1900, s7  }
0x8: {  	s6 =	sor.u32 s7, s6;
	s9 =	ssub.s32 $0x2, s7;
	s14 =	smul.u32 $0xC8000, s7  }
0x9: {  	s12 =	sadd.s32 $0x1000, s5;
	s8 =	smul.u32 $0x1900, s6;
	s26 =	sshrl.u32 s9, $0x1  }
0xa: {  	_ =	strace $0x80000047;
	s6 =	smul.u32 $0xC8000, s6;
	s9 =	ssub.s32 s9, s26  }
0xb: {  	s11 =	sadd.s32 s11, s10;
	s13 =	sadd.s32 s14, s13;
	s28 =	sshrl.u32 s8, $0x3  }
0xc: {  	s29 =	sshrl.u32 s6, $0x3;
	s6 =	smax.u32 s9, $0x1;
	s10 =	sadd.s32 $0x100, s11  }
0xd: {  	s14 =	sshrl.u32 s13, $0x3;
	s13 =	sor.u32 $0x4000, s13;
	s15 =	sor.u32 $0x80, s11  }
0xe: {  	s5 =	sadd.s32 s1, s28;
	s30 =	sadd.s32 s12, s29;
	s11 =	sadd.s32 s14, s12  }
0xf: {  	s13 =	sshrl.u32 s13, $0x3;
	s31 =	sshrl.u32 s15, $0x3;
	s14 =	simm.s32 $0x2  }
0x10: {  	s15 =	simm.s32 $0x80;
	s7 =	sadd.s32 $0x310, s5;
	s8 =	sadd.s32 $0x18000, s30  }
0x11: {  	s9 =	sadd.s32 $0x18800, s30;
	s12 =	sadd.s32 s13, s12;
	s13 =	sadd.s32 s31, s1  }
.LBB2_1:
0x12: {  	[tilespmem:s4], [sflag:$0x2] =	stream.linear.gather [hbm4b:s5+s4], $0x80, $0x38;
	[tilespmem:$0x8100] =	vst v63  }
0x13: {  	_ =	swait.ge [sflag:s14], $0x80  }
0x14: {  	[sflag:s14] =	ssyncset.done $0x0  }
0x15: {  	[sflag:s14] =	ssyncadd.s32 $0xFFFFFF80  }
0x16: {  	[tilespmem:s16], [sflag:$0x1] =	stream.indirect.gather [hbm4b:s3+s15], $0x80, s4, s15, $0xb8;
	[tilespmem:$0x8100] =	vst v63  }
0x17: {  	_ = 	snop  }
0x18: {  	[tilespmem:s15], [sflag:$0x3] =	stream.linear.gather [hbm4b:s13+s4], $0x80, $0x38;
	[tilespmem:$0x8100] =	vst v63  }
0x19: {  	_ =	swait.ge [sflag:s17], $0x80  }
0x1a: {  	[sflag:s17] =	ssyncset.done $0x0  }
0x1b: {  	[sflag:s17] =	ssyncadd.s32 $0xFFFFFF80  }
0x1c: {  	[tilespmem:s18], [sflag:$0x1] =	stream.indirect.gather [hbm4b:s3+s15], $0x80, s15, s15, $0xb8;
	[tilespmem:$0x8100] =	vst v63  }
0x1d: {  	_ =	swait.ge [sflag:s19], $0x4000  }
0x1e: {  	[sflag:s19] =	ssyncset.done $0x0  }
0x1f: {  	s21 =	sadd.s32 $0x0, s11;
	[sflag:s19] =	ssyncadd.s32 $0xFFFFC000  }
0x20: {  	[hbm4b:s21+s4] =	stream.linear.scatter [tilespmem:s16], [sflag:$0x3], $0x4000, $0x38;
	[tilespmem:$0x8100] =	vst v63  }
0x21: {  	_ =	swait.ge [sflag:s17], $0x4000  }
0x22: {  	s30 =	sshrl.u32 s10, $0x3;
	[sflag:s17] =	ssyncset.done $0x0  }
0x23: {  	s21 =	sadd.s32 s1, s30;
	[sflag:s17] =	ssyncadd.s32 $0xFFFFC000  }
0x24: {  	[tilespmem:s4], [sflag:$0x3] =	stream.linear.gather [hbm4b:s21+s4], $0x80, $0x38;
	[tilespmem:$0x8100] =	vst v63  }
0x25: {  	_ =	swait.ge [sflag:s17], $0x80  }
0x26: {  	[sflag:s17] =	ssyncset.done $0x0  }
0x27: {  	[sflag:s17] =	ssyncadd.s32 $0xFFFFFF80  }
0x28: {  	[tilespmem:s16], [sflag:$0x1] =	stream.indirect.gather [hbm4b:s3+s15], $0x80, s4, s15, $0xb8;
	[tilespmem:$0x8100] =	vst v63  }
0x29: {  	_ =	swait.ge [sflag:s19], $0x4000  }
0x2a: {  	[sflag:s19] =	ssyncset.done $0x0  }
0x2b: {  	s31 =	sadd.s32 $0x0, s12;
	[sflag:s19] =	ssyncadd.s32 $0xFFFFC000  }
0x2c: {  	[hbm4b:s31+s4] =	stream.linear.scatter [tilespmem:s18], [sflag:$0x2], $0x4000, $0x38;
	[tilespmem:$0x8100] =	vst v63  }
0x2d: {  	s22 =	smov.u32 s10;
	_ =	swait.ge [sflag:s14], $0x4000  }
0x2e: {  	s23 =	smov.u32 s13;
	s21 =	simm.s32 $0x1000;
	[sflag:s14] =	ssyncset.done $0x0  }
.LBB2_2:
0x2f: {  	[sflag:s14] =	ssyncadd.s32 $0xFFFFC000  }
0x30: {  	s22 =	sadd.s32 $0x100, s22;
	s23 =	sadd.s32 $0x20, s23;
	s24 =	smov.u32 s21  }
0x31: {  	[tilespmem:s15], [sflag:$0x3] =	stream.linear.gather [hbm4b:s23+s4], $0x80, $0x38;
	[tilespmem:$0x8100] =	vst v63  }
0x32: {  	p0 =	sne.s32 s21, $0x17000;
	s21 =	sadd.s32 $0x1000, s21;
	_ =	swait.ge [sflag:s17], $0x80  }
0x33: {  	[sflag:s17] =	ssyncset.done $0x0  }
0x34: {  	[sflag:s17] =	ssyncadd.s32 $0xFFFFFF80  }
0x35: {  	[tilespmem:s18], [sflag:$0x1] =	stream.indirect.gather [hbm4b:s3+s15], $0x80, s15, s15, $0xb8;
	[tilespmem:$0x8100] =	vst v63  }
0x36: {  	_ =	swait.ge [sflag:s19], $0x4000  }
0x37: {  	[sflag:s19] =	ssyncset.done $0x0  }
0x38: {  	s25 =	sadd.s32 s24, s11;
	[sflag:s19] =	ssyncadd.s32 $0xFFFFC000  }
0x39: {  	[hbm4b:s25+s4] =	stream.linear.scatter [tilespmem:s16], [sflag:$0x3], $0x4000, $0x38;
	[tilespmem:$0x8100] =	vst v63  }
0x3a: {  	_ =	swait.ge [sflag:s17], $0x4000  }
0x3b: {  	s25 =	sshrl.u32 s22, $0x3;
	[sflag:s17] =	ssyncset.done $0x0  }
0x3c: {  	s25 =	sadd.s32 s1, s25;
	[sflag:s17] =	ssyncadd.s32 $0xFFFFC000  }
0x3d: {  	[tilespmem:s4], [sflag:$0x3] =	stream.linear.gather [hbm4b:s25+s4], $0x80, $0x38;
	[tilespmem:$0x8100] =	vst v63  }
0x3e: {  	_ =	swait.ge [sflag:s17], $0x80  }
0x3f: {  	[sflag:s17] =	ssyncset.done $0x0  }
0x40: {  	[sflag:s17] =	ssyncadd.s32 $0xFFFFFF80  }
0x41: {  	[tilespmem:s16], [sflag:$0x1] =	stream.indirect.gather [hbm4b:s3+s15], $0x80, s4, s15, $0xb8;
	[tilespmem:$0x8100] =	vst v63  }
0x42: {  	_ =	swait.ge [sflag:s19], $0x4000  }
.Ltmp0:
0x43: {  	[sflag:s19] =	ssyncset.done $0x0;
	(pc) =	sbr.rel @p0 .LBB2_2-.Ltmp0, $4  }
0x44: {  	s24 =	sadd.s32 s24, s12;
	[sflag:s19] =	ssyncadd.s32 $0xFFFFC000  }
0x45: {  	[hbm4b:s24+s4] =	stream.linear.scatter [tilespmem:s18], [sflag:$0x2], $0x4000, $0x38;
	[tilespmem:$0x8100] =	vst v63  }
0x46: {  	_ =	swait.ge [sflag:s14], $0x4000  }
0x47: {  	[sflag:s14] =	ssyncset.done $0x0  }
0x48: {  	[sflag:s14] =	ssyncadd.s32 $0xFFFFC000  }
0x49: {  	[tilespmem:s15], [sflag:$0x3] =	stream.linear.gather [hbm4b:s7+s4], $0x80, $0x38;
	[tilespmem:$0x8100] =	vst v63  }
0x4a: {  	_ =	swait.ge [sflag:s17], $0x80  }
0x4b: {  	[sflag:s17] =	ssyncset.done $0x0  }
0x4c: {  	[sflag:s17] =	ssyncadd.s32 $0xFFFFFF80  }
0x4d: {  	[tilespmem:s18], [sflag:$0x1] =	stream.indirect.gather [hbm4b:s3+s15], $0x80, s15, s15, $0xb8;
	[tilespmem:$0x8100] =	vst v63  }
0x4e: {  	_ =	swait.ge [sflag:s19], $0x4000  }
0x4f: {  	[sflag:s19] =	ssyncset.done $0x0  }
0x50: {  	[sflag:s19] =	ssyncadd.s32 $0xFFFFC000  }
0x51: {  	[hbm4b:s8+s4] =	stream.linear.scatter [tilespmem:s16], [sflag:$0x3], $0x4000, $0x38;
	[tilespmem:$0x8100] =	vst v63  }
0x52: {  	_ =	swait.ge [sflag:s17], $0x4000  }
0x53: {  	[sflag:s17] =	ssyncset.done $0x0  }
0x54: {  	[sflag:s17] =	ssyncadd.s32 $0xFFFFC000  }
0x55: {  	s20 =	sadd.s32 $0x1, s20;
	_ =	swait.ge [sflag:s19], $0x4000  }
0x56: {  	p0 =	sne.s32 s20, s6;
	[sflag:s19] =	ssyncset.done $0x0  }
.Ltmp1:
0x57: {  	[sflag:s19] =	ssyncadd.s32 $0xFFFFC000;
	(pc) =	sbr.rel @p0 .LBB2_1-.Ltmp1, $4  }
0x58: {  	[hbm4b:s9+s4] =	stream.linear.scatter [tilespmem:s18], [sflag:$0x2], $0x4000, $0x38;
	[tilespmem:$0x8100] =	vst v63  }
0x59: {  	_ =	swait.ge [sflag:s14], $0x4000  }
0x5a: {  	[sflag:s14] =	ssyncset.done $0x0  }
0x5b: {  	[sflag:s14] =	ssyncadd.s32 $0xFFFFC000  }
0x5c: {  	_ =	sfence.sel $0x180000  }
0x5d: {  	[bflag:$0x0] =	sbarrier.arrive $0xFFFF  }
0x5e: {  	p0 =	sne.s32 s0, $0x0;
	_ =	strace $0x90000047  }
0x5f: {  	s0 =	sadd.s32 @!p0 $0x100000, s2;
	[bflag:$0x2] =	sbarrier.arrive $0xFFFF  }
0x60: {  	[sflag:s0] =	ssyncadd.tile.s32 @!p0 $0x1;
	_ =	shalt  }
.Lfunc_end2:
_tile_overlayer_lowered:
.L_overlay_start_2:
0x61: {  	(tag) =	ssettag $0x2  }
0x62: {  	s0 =	rddreg [dreg:$0x0];
	s2 =	stileid.u32  }
0x63: {  	s1 =	rddreg [dreg:$0x1];
	p0 =	sne.s32 s2, $0x0  }
0x64: {  	s3 =	rddreg [dreg:$0x2];
	[bflag:$0x3] =	sbarrier.arrive $0xFFFF;
	s2 =	simm.s32 @!p0 $0x1C02  }
0x65: {  	[timem:s3], [sflag:s2] =	dma.local @!p0 [hbm:s0], s1  }
0x66: {  	s0 =	simm.s32 @!p0 $0x2  }
0x67: {  	_ =	swait.ge @!p0 [sflag:s0], s1  }
0x68: {  	s1 =	ssub.s32 @!p0 $0x0, s1;
	[sflag:s0] =	ssyncset.done @!p0 $0x0  }
0x69: {  	[sflag:s0] =	ssyncadd.s32 @!p0 s1  }
0x6a: {  	[bflag:$0x3] =	sbarrier.arrive $0xFFFF  }
0x6b: {  	_ =	shalt  }

</sc_bundles>
